<compile_context>
chip_gen: v7x
topology: tpu7x:2x2x1
jax: 0.10.2.dev20260603
libtpu: 0.0.44.dev20260713+nightly
codegen_flags: <defaults>
</compile_context>

<pallas_src>
import functools

import jax
import jax.numpy as jnp
from jax import lax
from jax.experimental import pallas as pl
from jax.experimental.pallas import tpu as pltpu
from jax.experimental.pallas import tpu_sc as plsc

N_NODES = 10000
N_EDGES = 320000
D = 128

NC = 2
NS = 16
NW = NC * NS

CB = 128
NCHUNK = 80
EPW = CB * NCHUNK
E_PAD = EPW * NW
DUMP_ROW = N_NODES
NPAD = 10240
RPT = NPAD // NS

_MESH = dict(core_axis_name="c", subcore_axis_name="s")


def _sc_agg_body(feats, src3d, dst3d, z128, agg_out,
                 srcv, dstv, rows, aggs, gsem, asem):
    cid = lax.axis_index("c")
    sid = lax.axis_index("s")
    wid = sid * NC + cid

    r0 = sid * RPT
    pltpu.sync_copy(z128.at[pl.ds(r0, RPT)], aggs.at[pl.ds(r0, RPT)])
    plsc.subcore_barrier()

    pltpu.sync_copy(src3d.at[wid, 0], srcv.at[0])
    pltpu.sync_copy(dst3d.at[wid, 0], dstv.at[0])
    pltpu.async_copy(feats.at[srcv.at[0]], rows.at[0], gsem)

    def chunk(j, carry):
        p = lax.rem(j, 2)
        q = lax.rem(j + 1, 2)
        jn = lax.min(j + 1, NCHUNK - 1)
        pltpu.sync_copy(src3d.at[wid, jn], srcv.at[q])
        pltpu.sync_copy(dst3d.at[wid, jn], dstv.at[lax.rem(j + 1, 4)])
        pltpu.make_async_copy(feats.at[srcv.at[p]], rows.at[p], gsem).wait()

        @pl.when(j >= 1)
        def _():
            pltpu.make_async_copy(
                rows.at[q], aggs.at[dstv.at[lax.rem(j + 3, 4)]], asem).wait()

        pltpu.async_copy(feats.at[srcv.at[q]], rows.at[q], gsem)
        pltpu.async_copy(rows.at[p], aggs.at[dstv.at[lax.rem(j, 4)]], asem,
                         add=True)
        return carry

    lax.fori_loop(0, NCHUNK, chunk, 0)
    pltpu.make_async_copy(
        rows.at[lax.rem(NCHUNK - 1, 2)],
        aggs.at[dstv.at[lax.rem(NCHUNK - 1, 4)]], asem).wait()
    pltpu.make_async_copy(feats.at[srcv.at[0]], rows.at[0], gsem).wait()
    plsc.subcore_barrier()

    pltpu.sync_copy(aggs.at[pl.ds(r0, RPT)],
                    agg_out.at[cid, pl.ds(r0, RPT)])


_sc_agg = pl.kernel(
    _sc_agg_body,
    out_type=[jax.ShapeDtypeStruct((NC, NPAD, D), jnp.float32)],
    mesh=plsc.VectorSubcoreMesh(**_MESH),
    scratch_types=[
        pltpu.VMEM((2, CB), jnp.int32),
        pltpu.VMEM((4, CB), jnp.int32),
        pltpu.VMEM((2, CB, D), jnp.float32),
        pltpu.VMEM_SHARED((NPAD, D), jnp.float32),
        pltpu.SemaphoreType.DMA,
        pltpu.SemaphoreType.DMA,
    ],
)


def _sc_deg_body(dst3d, z128, ones_h, deg_out, dstv, ones, degs, asem):
    cid = lax.axis_index("c")
    sid = lax.axis_index("s")
    wid = sid * NC + cid

    r0 = sid * RPT
    pltpu.sync_copy(z128.at[pl.ds(r0, RPT)], degs.at[pl.ds(r0, RPT)])
    pltpu.sync_copy(ones_h, ones)
    plsc.subcore_barrier()

    pltpu.sync_copy(dst3d.at[wid, 0], dstv.at[0])

    def chunk(j, carry):
        jn = lax.min(j + 1, NCHUNK - 1)
        pltpu.sync_copy(dst3d.at[wid, jn], dstv.at[lax.rem(j + 1, 4)])

        @pl.when(j >= 1)
        def _():
            pltpu.make_async_copy(
                ones, degs.at[dstv.at[lax.rem(j + 3, 4)]], asem).wait()

        pltpu.async_copy(ones, degs.at[dstv.at[lax.rem(j, 4)]], asem,
                         add=True)
        return carry

    lax.fori_loop(0, NCHUNK, chunk, 0)
    pltpu.make_async_copy(
        ones, degs.at[dstv.at[lax.rem(NCHUNK - 1, 4)]], asem).wait()
    plsc.subcore_barrier()

    pltpu.sync_copy(degs.at[pl.ds(r0, RPT)],
                    deg_out.at[cid, pl.ds(r0, RPT)])


_sc_deg = pl.kernel(
    _sc_deg_body,
    out_type=[jax.ShapeDtypeStruct((NC, NPAD, D), jnp.float32)],
    mesh=plsc.VectorSubcoreMesh(**_MESH),
    scratch_types=[
        pltpu.VMEM((4, CB), jnp.int32),
        pltpu.VMEM((CB, D), jnp.float32),
        pltpu.VMEM_SHARED((NPAD, D), jnp.float32),
        pltpu.SemaphoreType.DMA,
    ],
)


def _tc_body(relu, xb, ap, dp, wl, wr, bb, ob):
    agg = ap[0] + ap[1]
    deg = jnp.maximum(dp[0, :, :1] + dp[1, :, :1], 1.0)
    m = agg / deg
    y = (jax.lax.dot(m, wl[...], preferred_element_type=jnp.float32)
         + jax.lax.dot(xb[...], wr[...], preferred_element_type=jnp.float32)
         + bb[...])
    ob[...] = jnp.maximum(y, 0.0) if relu else y


def _tc_layer(x, agg_p, deg_p, Wl, Wr, b, relu):
    blk = 1000
    grid = (N_NODES // blk,)
    return pl.pallas_call(
        functools.partial(_tc_body, relu),
        grid=grid,
        in_specs=[
            pl.BlockSpec((blk, D), lambda i: (i, 0)),
            pl.BlockSpec((2, blk, D), lambda i: (0, i, 0)),
            pl.BlockSpec((2, blk, D), lambda i: (0, i, 0)),
            pl.BlockSpec((D, D), lambda i: (0, 0)),
            pl.BlockSpec((D, D), lambda i: (0, 0)),
            pl.BlockSpec((1, D), lambda i: (0, 0)),
        ],
        out_specs=pl.BlockSpec((blk, D), lambda i: (i, 0)),
        out_shape=jax.ShapeDtypeStruct((N_NODES, D), jnp.float32),
    )(x, agg_p, deg_p, Wl, Wr, b.reshape(1, D))


def kernel(x, edge_index, Wl1, Wr1, b1, Wl2, Wr2, b2):
    edge_index = edge_index.astype(jnp.int32)
    src = edge_index[0]
    dst = edge_index[1]
    pad = E_PAD - N_EDGES
    srcp = jnp.concatenate([src, jnp.zeros((pad,), jnp.int32)])
    dump = DUMP_ROW + jnp.arange(pad, dtype=jnp.int32) % (NPAD - N_NODES)
    dstp = jnp.concatenate([dst, dump])
    src3d = srcp.reshape(NW, NCHUNK, CB)
    dst3d = dstp.reshape(NW, NCHUNK, CB)
    z128 = jnp.zeros((NPAD, D), jnp.float32)
    ones_h = jnp.ones((CB, D), jnp.float32)

    (deg,) = _sc_deg(dst3d, z128, ones_h)
    (agg1,) = _sc_agg(x, src3d, dst3d, z128)
    h = _tc_layer(x, agg1, deg, Wl1, Wr1, b1, relu=True)
    (agg2,) = _sc_agg(h, src3d, dst3d, z128)
    out = _tc_layer(h, agg2, deg, Wl2, Wr2, b2, relu=False)
    return out

# --- scband reference (transcript-rebuilt; emitter-appended) ---
"""Pipeline reference for scband-gnn-sd-65008624992318 (READ-ONLY COPY).

The authoritative reference and input builder live on the scoring server;
editing this copy changes nothing except your own understanding.
"""

import jax, jax.numpy as jnp
import numpy as np

N_NODES = 10000
N_EDGES = 320000
D_IN = 128
D_HID = 128
D_OUT = 128

def setup_inputs(seed: int = 0) -> dict:
    key = jax.random.key(seed)
    ks = jax.random.split(key, 9)
    x = jax.random.normal(ks[0], (N_NODES, D_IN), dtype=jnp.float32)
    edge_index = jax.random.randint(ks[1], (2, N_EDGES), 0, N_NODES, dtype=jnp.int64 if jax.config.jax_enable_x64 else jnp.int32)
    # SAGEConv layer 1 params (lin_l acts on aggregated neighbors, lin_r on root)
    Wl1 = jax.random.normal(ks[2], (D_IN, D_HID), dtype=jnp.float32) * 0.05
    Wr1 = jax.random.normal(ks[3], (D_IN, D_HID), dtype=jnp.float32) * 0.05
    b1 = jnp.zeros((D_HID,), dtype=jnp.float32)
    # SAGEConv layer 2 params
    Wl2 = jax.random.normal(ks[4], (D_HID, D_OUT), dtype=jnp.float32) * 0.05
    Wr2 = jax.random.normal(ks[5], (D_HID, D_OUT), dtype=jnp.float32) * 0.05
    b2 = jnp.zeros((D_OUT,), dtype=jnp.float32)
    return {"x": x, "edge_index": edge_index, "Wl1": Wl1, "Wr1": Wr1, "b1": b1, "Wl2": Wl2, "Wr2": Wr2, "b2": b2}

def _sage_conv(x, src, dst, Wl, Wr, b, num_nodes):
    # mean aggregation of source features onto destination nodes (PyG SAGEConv default)
    msg = jnp.take(x, src, axis=0)
    agg = jax.ops.segment_sum(msg, dst, num_segments=num_nodes)
    deg = jax.ops.segment_sum(jnp.ones((src.shape[0],), dtype=x.dtype), dst, num_segments=num_nodes)
    agg = agg / jnp.maximum(deg, 1.0)[:, None]
    return agg @ Wl + x @ Wr + b

def reference(x, edge_index, Wl1, Wr1, b1, Wl2, Wr2, b2):
    src = edge_index[0]
    dst = edge_index[1]
    h = _sage_conv(x, src, dst, Wl1, Wr1, b1, N_NODES)
    h = jax.nn.relu(h)
    # dropout is identity in eval mode
    out = _sage_conv(h, src, dst, Wl2, Wr2, b2, N_NODES)
    return out

if __name__ == "__main__":
    import jax
    _d = setup_inputs()
    print(jax.jit(kernel)(*tuple(_d.values())))

</pallas_src>

<mosaic_0001>
#map = affine_map<(d0, d1) -> (0, 0, 0)>
#map1 = affine_map<(d0, d1) -> (0, 0)>
module attributes {stable_mosaic.version = 14 : i64} {
  func.func @_sc_deg_body(%arg0: i32, %arg1: i32, %arg2: memref<32x80x128xi32, #tpu.memory_space<hbm>>, %arg3: memref<10240x128xf32, #tpu.memory_space<hbm>>, %arg4: memref<128x128xf32, #tpu.memory_space<hbm>>, %arg5: memref<2x10240x128xf32, #tpu.memory_space<hbm>>, %arg6: memref<4x128xi32, #tpu.memory_space<vmem>>, %arg7: memref<128x128xf32, #tpu.memory_space<vmem>>, %arg8: memref<10240x128xf32, #tpu.memory_space<vmem_shared>>, %arg9: memref<!tpu.dma_semaphore, #tpu.memory_space<semaphore_mem>>) attributes {dimension_semantics = [#tpu.dimension_semantics<core_parallel>, #tpu.dimension_semantics<subcore_parallel>], iteration_bounds = array<i64: 2, 16>, scalar_prefetch = 0 : i64, scratch_operands = 4 : i64, tpu.core_type = #tpu.core_type<sc_vector_subcore>, window_params = [{transform_indices = #map}, {transform_indices = #map1}, {transform_indices = #map1}, {transform_indices = #map}]} {
    %mul3A = arith.constant 2 : i32
    %mul3A_0 = arith.muli %arg1, %mul3A : i32
    %add3A = arith.addi %mul3A_0, %arg0 : i32
    %mul3A_1 = arith.constant 640 : i32
    %mul3A_2 = arith.muli %arg1, %mul3A_1 : i32
    "tpu.region"() ({
      %run_scoped3A_17 = tpu.sem_alloc : memref<!tpu.dma_semaphore, #tpu.memory_space<semaphore_mem>>
      %dma_start3A = arith.constant 0 : i32
      %dma_start3A_18 = tpu.memref_slice %arg8[%mul3A_2, %dma_start3A] : memref<10240x128xf32, #tpu.memory_space<vmem_shared>> -> memref<640x128xf32, #tpu.memory_space<vmem_shared>>
      %dma_start3A_19 = arith.constant 0 : i32
      %dma_start3A_20 = tpu.memref_slice %arg3[%mul3A_2, %dma_start3A_19] : memref<10240x128xf32, #tpu.memory_space<hbm>> -> memref<640x128xf32, #tpu.memory_space<hbm>>
      tpu.enqueue_dma source(%dma_start3A_20 : memref<640x128xf32, #tpu.memory_space<hbm>>) target(%dma_start3A_18 : memref<640x128xf32, #tpu.memory_space<vmem_shared>>) target_semaphore(%run_scoped3A_17 : memref<!tpu.dma_semaphore, #tpu.memory_space<semaphore_mem>>)
      %dma_wait3A_21 = arith.constant 0 : i32
      %dma_wait3A_22 = tpu.memref_slice %arg8[%mul3A_2, %dma_wait3A_21] : memref<10240x128xf32, #tpu.memory_space<vmem_shared>> -> memref<640x128xf32, #tpu.memory_space<vmem_shared>>
      %dma_wait3A_23 = arith.constant 0 : i32
      %dma_wait3A_24 = tpu.memref_slice %arg3[%mul3A_2, %dma_wait3A_23] : memref<10240x128xf32, #tpu.memory_space<hbm>> -> memref<640x128xf32, #tpu.memory_space<hbm>>
      tpu.wait_dma2 semaphore(%run_scoped3A_17 : memref<!tpu.dma_semaphore, #tpu.memory_space<semaphore_mem>>) src(%dma_wait3A_24 : memref<640x128xf32, #tpu.memory_space<hbm>>) dst(%dma_wait3A_22 : memref<640x128xf32, #tpu.memory_space<vmem_shared>>)
      tpu.yield
    }) : () -> ()
    "tpu.region"() ({
      %run_scoped3A_17 = tpu.sem_alloc : memref<!tpu.dma_semaphore, #tpu.memory_space<semaphore_mem>>
      tpu.enqueue_dma source(%arg4 : memref<128x128xf32, #tpu.memory_space<hbm>>) target(%arg7 : memref<128x128xf32, #tpu.memory_space<vmem>>) target_semaphore(%run_scoped3A_17 : memref<!tpu.dma_semaphore, #tpu.memory_space<semaphore_mem>>)
      tpu.wait_dma2 semaphore(%run_scoped3A_17 : memref<!tpu.dma_semaphore, #tpu.memory_space<semaphore_mem>>) src(%arg4 : memref<128x128xf32, #tpu.memory_space<hbm>>) dst(%arg7 : memref<128x128xf32, #tpu.memory_space<vmem>>)
      tpu.yield
    }) : () -> ()
    %barrier3A = arith.constant 0 : index
    tpu.barrier barrier_id(%barrier3A)
    %run_scoped3A = arith.constant 0 : i32
    %run_scoped3A_3 = arith.constant 0 : i32
    "tpu.region"() ({
      %run_scoped3A_17 = tpu.sem_alloc : memref<!tpu.dma_semaphore, #tpu.memory_space<semaphore_mem>>
      %dma_start3A = arith.constant 0 : i32
      %dma_start3A_18 = tpu.memref_slice %arg6[%run_scoped3A_3, %dma_start3A] : memref<4x128xi32, #tpu.memory_space<vmem>> -> memref<1x128xi32, #tpu.memory_space<vmem>>
      %dma_start3A_19 = tpu.memref_squeeze %dma_start3A_18 : memref<1x128xi32, #tpu.memory_space<vmem>> -> memref<128xi32, #tpu.memory_space<vmem>>
      %dma_start3A_20 = arith.constant 0 : i32
      %dma_start3A_21 = tpu.memref_slice %arg2[%add3A, %run_scoped3A, %dma_start3A_20] : memref<32x80x128xi32, #tpu.memory_space<hbm>> -> memref<1x1x128xi32, #tpu.memory_space<hbm>>
      %dma_start3A_22 = tpu.memref_squeeze %dma_start3A_21 : memref<1x1x128xi32, #tpu.memory_space<hbm>> -> memref<128xi32, #tpu.memory_space<hbm>>
      %dma_start3A_23 = arith.constant 0 : i32
      %dma_start3A_24 = tpu.memref_slice %arg6[%run_scoped3A_3, %dma_start3A_23] : memref<4x128xi32, #tpu.memory_space<vmem>> -> memref<1x128xi32, #tpu.memory_space<vmem>>
      %dma_start3A_25 = tpu.memref_squeeze %dma_start3A_24 : memref<1x128xi32, #tpu.memory_space<vmem>> -> memref<128xi32, #tpu.memory_space<vmem>>
      %dma_start3A_26 = arith.constant 0 : i32
      %dma_start3A_27 = tpu.memref_slice %arg2[%add3A, %run_scoped3A, %dma_start3A_26] : memref<32x80x128xi32, #tpu.memory_space<hbm>> -> memref<1x1x128xi32, #tpu.memory_space<hbm>>
      %dma_start3A_28 = tpu.memref_squeeze %dma_start3A_27 : memref<1x1x128xi32, #tpu.memory_space<hbm>> -> memref<128xi32, #tpu.memory_space<hbm>>
      tpu.enqueue_dma source(%dma_start3A_28 : memref<128xi32, #tpu.memory_space<hbm>>) target(%dma_start3A_25 : memref<128xi32, #tpu.memory_space<vmem>>) target_semaphore(%run_scoped3A_17 : memref<!tpu.dma_semaphore, #tpu.memory_space<semaphore_mem>>)
      %dma_wait3A_29 = arith.constant 0 : i32
      %dma_wait3A_30 = tpu.memref_slice %arg6[%run_scoped3A_3, %dma_wait3A_29] : memref<4x128xi32, #tpu.memory_space<vmem>> -> memref<1x128xi32, #tpu.memory_space<vmem>>
      %dma_wait3A_31 = tpu.memref_squeeze %dma_wait3A_30 : memref<1x128xi32, #tpu.memory_space<vmem>> -> memref<128xi32, #tpu.memory_space<vmem>>
      %dma_wait3A_32 = arith.constant 0 : i32
      %dma_wait3A_33 = tpu.memref_slice %arg2[%add3A, %run_scoped3A, %dma_wait3A_32] : memref<32x80x128xi32, #tpu.memory_space<hbm>> -> memref<1x1x128xi32, #tpu.memory_space<hbm>>
      %dma_wait3A_34 = tpu.memref_squeeze %dma_wait3A_33 : memref<1x1x128xi32, #tpu.memory_space<hbm>> -> memref<128xi32, #tpu.memory_space<hbm>>
      %dma_wait3A_35 = arith.constant 0 : i32
      %dma_wait3A_36 = tpu.memref_slice %arg6[%run_scoped3A_3, %dma_wait3A_35] : memref<4x128xi32, #tpu.memory_space<vmem>> -> memref<1x128xi32, #tpu.memory_space<vmem>>
      %dma_wait3A_37 = tpu.memref_squeeze %dma_wait3A_36 : memref<1x128xi32, #tpu.memory_space<vmem>> -> memref<128xi32, #tpu.memory_space<vmem>>
      %dma_wait3A_38 = arith.constant 0 : i32
      %dma_wait3A_39 = tpu.memref_slice %arg2[%add3A, %run_scoped3A, %dma_wait3A_38] : memref<32x80x128xi32, #tpu.memory_space<hbm>> -> memref<1x1x128xi32, #tpu.memory_space<hbm>>
      %dma_wait3A_40 = tpu.memref_squeeze %dma_wait3A_39 : memref<1x1x128xi32, #tpu.memory_space<hbm>> -> memref<128xi32, #tpu.memory_space<hbm>>
      tpu.wait_dma2 semaphore(%run_scoped3A_17 : memref<!tpu.dma_semaphore, #tpu.memory_space<semaphore_mem>>) src(%dma_wait3A_40 : memref<128xi32, #tpu.memory_space<hbm>>) dst(%dma_wait3A_37 : memref<128xi32, #tpu.memory_space<vmem>>)
      tpu.yield
    }) : () -> ()
    %scan3A = arith.constant 0 : i32
    %scan3A_4 = arith.constant 0 : i32
    %scan3A_5 = arith.constant 80 : i32
    %scan3A_6 = arith.addi %scan3A_4, %scan3A_5 : i32
    %scan3A_7 = arith.constant 1 : i32
    scf.for %scan3A_17 = %scan3A_4 to %scan3A_6 step %scan3A_7  : i32 {
      %add3A_18 = arith.constant 1 : i32
      %add3A_19 = arith.addi %scan3A_17, %add3A_18 : i32
      %min3A = arith.constant 79 : i32
      %min3A_20 = arith.minsi %add3A_19, %min3A : i32
      %add3A_21 = arith.constant 1 : i32
      %add3A_22 = arith.addi %scan3A_17, %add3A_21 : i32
      %rem3A_23 = arith.constant 4 : i32
      %rem3A_24 = arith.remsi %add3A_22, %rem3A_23 : i32
      "tpu.region"() ({
        %run_scoped3A_34 = tpu.sem_alloc : memref<!tpu.dma_semaphore, #tpu.memory_space<semaphore_mem>>
        %dma_start3A_35 = arith.constant 0 : i32
        %dma_start3A_36 = tpu.memref_slice %arg6[%rem3A_24, %dma_start3A_35] : memref<4x128xi32, #tpu.memory_space<vmem>> -> memref<1x128xi32, #tpu.memory_space<vmem>>
        %dma_start3A_37 = tpu.memref_squeeze %dma_start3A_36 : memref<1x128xi32, #tpu.memory_space<vmem>> -> memref<128xi32, #tpu.memory_space<vmem>>
        %dma_start3A_38 = arith.constant 0 : i32
        %dma_start3A_39 = tpu.memref_slice %arg2[%add3A, %min3A_20, %dma_start3A_38] : memref<32x80x128xi32, #tpu.memory_space<hbm>> -> memref<1x1x128xi32, #tpu.memory_space<hbm>>
        %dma_start3A_40 = tpu.memref_squeeze %dma_start3A_39 : memref<1x1x128xi32, #tpu.memory_space<hbm>> -> memref<128xi32, #tpu.memory_space<hbm>>
        %dma_start3A_41 = arith.constant 0 : i32
        %dma_start3A_42 = tpu.memref_slice %arg6[%rem3A_24, %dma_start3A_41] : memref<4x128xi32, #tpu.memory_space<vmem>> -> memref<1x128xi32, #tpu.memory_space<vmem>>
        %dma_start3A_43 = tpu.memref_squeeze %dma_start3A_42 : memref<1x128xi32, #tpu.memory_space<vmem>> -> memref<128xi32, #tpu.memory_space<vmem>>
        %dma_start3A_44 = arith.constant 0 : i32
        %dma_start3A_45 = tpu.memref_slice %arg2[%add3A, %min3A_20, %dma_start3A_44] : memref<32x80x128xi32, #tpu.memory_space<hbm>> -> memref<1x1x128xi32, #tpu.memory_space<hbm>>
        %dma_start3A_46 = tpu.memref_squeeze %dma_start3A_45 : memref<1x1x128xi32, #tpu.memory_space<hbm>> -> memref<128xi32, #tpu.memory_space<hbm>>
        tpu.enqueue_dma source(%dma_start3A_46 : memref<128xi32, #tpu.memory_space<hbm>>) target(%dma_start3A_43 : memref<128xi32, #tpu.memory_space<vmem>>) target_semaphore(%run_scoped3A_34 : memref<!tpu.dma_semaphore, #tpu.memory_space<semaphore_mem>>)
        %dma_wait3A_47 = arith.constant 0 : i32
        %dma_wait3A_48 = tpu.memref_slice %arg6[%rem3A_24, %dma_wait3A_47] : memref<4x128xi32, #tpu.memory_space<vmem>> -> memref<1x128xi32, #tpu.memory_space<vmem>>
        %dma_wait3A_49 = tpu.memref_squeeze %dma_wait3A_48 : memref<1x128xi32, #tpu.memory_space<vmem>> -> memref<128xi32, #tpu.memory_space<vmem>>
        %dma_wait3A_50 = arith.constant 0 : i32
        %dma_wait3A_51 = tpu.memref_slice %arg2[%add3A, %min3A_20, %dma_wait3A_50] : memref<32x80x128xi32, #tpu.memory_space<hbm>> -> memref<1x1x128xi32, #tpu.memory_space<hbm>>
        %dma_wait3A_52 = tpu.memref_squeeze %dma_wait3A_51 : memref<1x1x128xi32, #tpu.memory_space<hbm>> -> memref<128xi32, #tpu.memory_space<hbm>>
        %dma_wait3A_53 = arith.constant 0 : i32
        %dma_wait3A_54 = tpu.memref_slice %arg6[%rem3A_24, %dma_wait3A_53] : memref<4x128xi32, #tpu.memory_space<vmem>> -> memref<1x128xi32, #tpu.memory_space<vmem>>
        %dma_wait3A_55 = tpu.memref_squeeze %dma_wait3A_54 : memref<1x128xi32, #tpu.memory_space<vmem>> -> memref<128xi32, #tpu.memory_space<vmem>>
        %dma_wait3A_56 = arith.constant 0 : i32
        %dma_wait3A_57 = tpu.memref_slice %arg2[%add3A, %min3A_20, %dma_wait3A_56] : memref<32x80x128xi32, #tpu.memory_space<hbm>> -> memref<1x1x128xi32, #tpu.memory_space<hbm>>
        %dma_wait3A_58 = tpu.memref_squeeze %dma_wait3A_57 : memref<1x1x128xi32, #tpu.memory_space<hbm>> -> memref<128xi32, #tpu.memory_space<hbm>>
        tpu.wait_dma2 semaphore(%run_scoped3A_34 : memref<!tpu.dma_semaphore, #tpu.memory_space<semaphore_mem>>) src(%dma_wait3A_58 : memref<128xi32, #tpu.memory_space<hbm>>) dst(%dma_wait3A_55 : memref<128xi32, #tpu.memory_space<vmem>>)
        tpu.yield
      }) : () -> ()
      %ge3A = arith.constant 1 : i32
      %ge3A_25 = arith.cmpi sge, %scan3A_17, %ge3A : i32
      %convert_element_type3A = arith.extui %ge3A_25 : i1 to i32
      %cond3A = arith.constant 0 : i32
      %cond3A_26 = arith.cmpi ne, %convert_element_type3A, %cond3A : i32
      scf.if %cond3A_26 {
        %add3A_34 = arith.constant 3 : i32
        %add3A_35 = arith.addi %scan3A_17, %add3A_34 : i32
        %rem3A_36 = arith.constant 4 : i32
        %rem3A_37 = arith.remsi %add3A_35, %rem3A_36 : i32
        %dma_wait3A_38 = arith.constant 0 : i32
        %dma_wait3A_39 = tpu.memref_slice %arg6[%rem3A_37, %dma_wait3A_38] : memref<4x128xi32, #tpu.memory_space<vmem>> -> memref<1x128xi32, #tpu.memory_space<vmem>>
        %dma_wait3A_40 = tpu.memref_squeeze %dma_wait3A_39 : memref<1x128xi32, #tpu.memory_space<vmem>> -> memref<128xi32, #tpu.memory_space<vmem>>
        %dma_wait3A_41 = arith.constant 0 : i32
        %dma_wait3A_42 = arith.constant 0 : i32
        %dma_wait3A_43 = tpu.memref_slice %arg8[%dma_wait3A_41, %dma_wait3A_42] : memref<10240x128xf32, #tpu.memory_space<vmem_shared>> -> memref<10240x128xf32, #tpu.memory_space<vmem_shared>>
        tpu.wait_indirect_dma semaphore(%arg9 : memref<!tpu.dma_semaphore, #tpu.memory_space<semaphore_mem>>) src(%arg7 : memref<128x128xf32, #tpu.memory_space<vmem>>) dst(%dma_wait3A_43 : memref<10240x128xf32, #tpu.memory_space<vmem_shared>>)
      } else {
      }
      %rem3A_27 = arith.constant 4 : i32
      %rem3A_28 = arith.remsi %scan3A_17, %rem3A_27 : i32
      %dma_start3A = arith.constant 0 : i32
      %dma_start3A_29 = tpu.memref_slice %arg6[%rem3A_28, %dma_start3A] : memref<4x128xi32, #tpu.memory_space<vmem>> -> memref<1x128xi32, #tpu.memory_space<vmem>>
      %dma_start3A_30 = tpu.memref_squeeze %dma_start3A_29 : memref<1x128xi32, #tpu.memory_space<vmem>> -> memref<128xi32, #tpu.memory_space<vmem>>
      %dma_start3A_31 = arith.constant 0 : i32
      %dma_start3A_32 = arith.constant 0 : i32
      %dma_start3A_33 = tpu.memref_slice %arg8[%dma_start3A_31, %dma_start3A_32] : memref<10240x128xf32, #tpu.memory_space<vmem_shared>> -> memref<10240x128xf32, #tpu.memory_space<vmem_shared>>
      tpu.enqueue_indirect_dma source(%arg7 : memref<128x128xf32, #tpu.memory_space<vmem>>) target(%dma_start3A_33 : memref<10240x128xf32, #tpu.memory_space<vmem_shared>>) offsets(%dma_start3A_30 : memref<128xi32, #tpu.memory_space<vmem>>) semaphore(%arg9 : memref<!tpu.dma_semaphore, #tpu.memory_space<semaphore_mem>>) {add = true}
    }
    %scan3A_8 = arith.constant 80 : i32
    %rem3A = arith.constant 79 : i32
    %rem3A_9 = arith.constant 4 : i32
    %rem3A_10 = arith.remsi %rem3A, %rem3A_9 : i32
    %dma_wait3A = arith.constant 0 : i32
    %dma_wait3A_11 = tpu.memref_slice %arg6[%rem3A_10, %dma_wait3A] : memref<4x128xi32, #tpu.memory_space<vmem>> -> memref<1x128xi32, #tpu.memory_space<vmem>>
    %dma_wait3A_12 = tpu.memref_squeeze %dma_wait3A_11 : memref<1x128xi32, #tpu.memory_space<vmem>> -> memref<128xi32, #tpu.memory_space<vmem>>
    %dma_wait3A_13 = arith.constant 0 : i32
    %dma_wait3A_14 = arith.constant 0 : i32
    %dma_wait3A_15 = tpu.memref_slice %arg8[%dma_wait3A_13, %dma_wait3A_14] : memref<10240x128xf32, #tpu.memory_space<vmem_shared>> -> memref<10240x128xf32, #tpu.memory_space<vmem_shared>>
    tpu.wait_indirect_dma semaphore(%arg9 : memref<!tpu.dma_semaphore, #tpu.memory_space<semaphore_mem>>) src(%arg7 : memref<128x128xf32, #tpu.memory_space<vmem>>) dst(%dma_wait3A_15 : memref<10240x128xf32, #tpu.memory_space<vmem_shared>>)
    %barrier3A_16 = arith.constant 0 : index
    tpu.barrier barrier_id(%barrier3A_16)
    "tpu.region"() ({
      %run_scoped3A_17 = tpu.sem_alloc : memref<!tpu.dma_semaphore, #tpu.memory_space<semaphore_mem>>
      %dma_start3A = arith.constant 0 : i32
      %dma_start3A_18 = tpu.memref_slice %arg5[%arg0, %mul3A_2, %dma_start3A] : memref<2x10240x128xf32, #tpu.memory_space<hbm>> -> memref<1x640x128xf32, #tpu.memory_space<hbm>>
      %dma_start3A_19 = tpu.memref_squeeze %dma_start3A_18 : memref<1x640x128xf32, #tpu.memory_space<hbm>> -> memref<640x128xf32, #tpu.memory_space<hbm>>
      %dma_start3A_20 = arith.constant 0 : i32
      %dma_start3A_21 = tpu.memref_slice %arg8[%mul3A_2, %dma_start3A_20] : memref<10240x128xf32, #tpu.memory_space<vmem_shared>> -> memref<640x128xf32, #tpu.memory_space<vmem_shared>>
      tpu.enqueue_dma source(%dma_start3A_21 : memref<640x128xf32, #tpu.memory_space<vmem_shared>>) target(%dma_start3A_19 : memref<640x128xf32, #tpu.memory_space<hbm>>) target_semaphore(%run_scoped3A_17 : memref<!tpu.dma_semaphore, #tpu.memory_space<semaphore_mem>>)
      %dma_wait3A_22 = arith.constant 0 : i32
      %dma_wait3A_23 = tpu.memref_slice %arg5[%arg0, %mul3A_2, %dma_wait3A_22] : memref<2x10240x128xf32, #tpu.memory_space<hbm>> -> memref<1x640x128xf32, #tpu.memory_space<hbm>>
      %dma_wait3A_24 = tpu.memref_squeeze %dma_wait3A_23 : memref<1x640x128xf32, #tpu.memory_space<hbm>> -> memref<640x128xf32, #tpu.memory_space<hbm>>
      %dma_wait3A_25 = arith.constant 0 : i32
      %dma_wait3A_26 = tpu.memref_slice %arg8[%mul3A_2, %dma_wait3A_25] : memref<10240x128xf32, #tpu.memory_space<vmem_shared>> -> memref<640x128xf32, #tpu.memory_space<vmem_shared>>
      tpu.wait_dma2 semaphore(%run_scoped3A_17 : memref<!tpu.dma_semaphore, #tpu.memory_space<semaphore_mem>>) src(%dma_wait3A_26 : memref<640x128xf32, #tpu.memory_space<vmem_shared>>) dst(%dma_wait3A_24 : memref<640x128xf32, #tpu.memory_space<hbm>>)
      tpu.yield
    }) : () -> ()
    return
  }
}

#map = affine_map<(d0, d1) -> (0, 0)>
#map1 = affine_map<(d0, d1) -> (0, 0, 0)>
module attributes {stable_mosaic.version = 14 : i64} {
  func.func @_sc_agg_body(%arg0: i32, %arg1: i32, %arg2: memref<10000x128xf32, #tpu.memory_space<hbm>>, %arg3: memref<32x80x128xi32, #tpu.memory_space<hbm>>, %arg4: memref<32x80x128xi32, #tpu.memory_space<hbm>>, %arg5: memref<10240x128xf32, #tpu.memory_space<hbm>>, %arg6: memref<2x10240x128xf32, #tpu.memory_space<hbm>>, %arg7: memref<2x128xi32, #tpu.memory_space<vmem>>, %arg8: memref<4x128xi32, #tpu.memory_space<vmem>>, %arg9: memref<2x128x128xf32, #tpu.memory_space<vmem>>, %arg10: memref<10240x128xf32, #tpu.memory_space<vmem_shared>>, %arg11: memref<!tpu.dma_semaphore, #tpu.memory_space<semaphore_mem>>, %arg12: memref<!tpu.dma_semaphore, #tpu.memory_space<semaphore_mem>>) attributes {dimension_semantics = [#tpu.dimension_semantics<core_parallel>, #tpu.dimension_semantics<subcore_parallel>], iteration_bounds = array<i64: 2, 16>, scalar_prefetch = 0 : i64, scratch_operands = 6 : i64, tpu.core_type = #tpu.core_type<sc_vector_subcore>, window_params = [{transform_indices = #map}, {transform_indices = #map1}, {transform_indices = #map1}, {transform_indices = #map}, {transform_indices = #map1}]} {
    %mul3A = arith.constant 2 : i32
    %mul3A_0 = arith.muli %arg1, %mul3A : i32
    %add3A = arith.addi %mul3A_0, %arg0 : i32
    %mul3A_1 = arith.constant 640 : i32
    %mul3A_2 = arith.muli %arg1, %mul3A_1 : i32
    "tpu.region"() ({
      %run_scoped3A_49 = tpu.sem_alloc : memref<!tpu.dma_semaphore, #tpu.memory_space<semaphore_mem>>
      %dma_start3A_50 = arith.constant 0 : i32
      %dma_start3A_51 = tpu.memref_slice %arg10[%mul3A_2, %dma_start3A_50] : memref<10240x128xf32, #tpu.memory_space<vmem_shared>> -> memref<640x128xf32, #tpu.memory_space<vmem_shared>>
      %dma_start3A_52 = arith.constant 0 : i32
      %dma_start3A_53 = tpu.memref_slice %arg5[%mul3A_2, %dma_start3A_52] : memref<10240x128xf32, #tpu.memory_space<hbm>> -> memref<640x128xf32, #tpu.memory_space<hbm>>
      tpu.enqueue_dma source(%dma_start3A_53 : memref<640x128xf32, #tpu.memory_space<hbm>>) target(%dma_start3A_51 : memref<640x128xf32, #tpu.memory_space<vmem_shared>>) target_semaphore(%run_scoped3A_49 : memref<!tpu.dma_semaphore, #tpu.memory_space<semaphore_mem>>)
      %dma_wait3A_54 = arith.constant 0 : i32
      %dma_wait3A_55 = tpu.memref_slice %arg10[%mul3A_2, %dma_wait3A_54] : memref<10240x128xf32, #tpu.memory_space<vmem_shared>> -> memref<640x128xf32, #tpu.memory_space<vmem_shared>>
      %dma_wait3A_56 = arith.constant 0 : i32
      %dma_wait3A_57 = tpu.memref_slice %arg5[%mul3A_2, %dma_wait3A_56] : memref<10240x128xf32, #tpu.memory_space<hbm>> -> memref<640x128xf32, #tpu.memory_space<hbm>>
      tpu.wait_dma2 semaphore(%run_scoped3A_49 : memref<!tpu.dma_semaphore, #tpu.memory_space<semaphore_mem>>) src(%dma_wait3A_57 : memref<640x128xf32, #tpu.memory_space<hbm>>) dst(%dma_wait3A_55 : memref<640x128xf32, #tpu.memory_space<vmem_shared>>)
      tpu.yield
    }) : () -> ()
    %barrier3A = arith.constant 0 : index
    tpu.barrier barrier_id(%barrier3A)
    %run_scoped3A = arith.constant 0 : i32
    %run_scoped3A_3 = arith.constant 0 : i32
    "tpu.region"() ({
      %run_scoped3A_49 = tpu.sem_alloc : memref<!tpu.dma_semaphore, #tpu.memory_space<semaphore_mem>>
      %dma_start3A_50 = arith.constant 0 : i32
      %dma_start3A_51 = tpu.memref_slice %arg7[%run_scoped3A_3, %dma_start3A_50] : memref<2x128xi32, #tpu.memory_space<vmem>> -> memref<1x128xi32, #tpu.memory_space<vmem>>
      %dma_start3A_52 = tpu.memref_squeeze %dma_start3A_51 : memref<1x128xi32, #tpu.memory_space<vmem>> -> memref<128xi32, #tpu.memory_space<vmem>>
      %dma_start3A_53 = arith.constant 0 : i32
      %dma_start3A_54 = tpu.memref_slice %arg3[%add3A, %run_scoped3A, %dma_start3A_53] : memref<32x80x128xi32, #tpu.memory_space<hbm>> -> memref<1x1x128xi32, #tpu.memory_space<hbm>>
      %dma_start3A_55 = tpu.memref_squeeze %dma_start3A_54 : memref<1x1x128xi32, #tpu.memory_space<hbm>> -> memref<128xi32, #tpu.memory_space<hbm>>
      %dma_start3A_56 = arith.constant 0 : i32
      %dma_start3A_57 = tpu.memref_slice %arg7[%run_scoped3A_3, %dma_start3A_56] : memref<2x128xi32, #tpu.memory_space<vmem>> -> memref<1x128xi32, #tpu.memory_space<vmem>>
      %dma_start3A_58 = tpu.memref_squeeze %dma_start3A_57 : memref<1x128xi32, #tpu.memory_space<vmem>> -> memref<128xi32, #tpu.memory_space<vmem>>
      %dma_start3A_59 = arith.constant 0 : i32
      %dma_start3A_60 = tpu.memref_slice %arg3[%add3A, %run_scoped3A, %dma_start3A_59] : memref<32x80x128xi32, #tpu.memory_space<hbm>> -> memref<1x1x128xi32, #tpu.memory_space<hbm>>
      %dma_start3A_61 = tpu.memref_squeeze %dma_start3A_60 : memref<1x1x128xi32, #tpu.memory_space<hbm>> -> memref<128xi32, #tpu.memory_space<hbm>>
      tpu.enqueue_dma source(%dma_start3A_61 : memref<128xi32, #tpu.memory_space<hbm>>) target(%dma_start3A_58 : memref<128xi32, #tpu.memory_space<vmem>>) target_semaphore(%run_scoped3A_49 : memref<!tpu.dma_semaphore, #tpu.memory_space<semaphore_mem>>)
      %dma_wait3A_62 = arith.constant 0 : i32
      %dma_wait3A_63 = tpu.memref_slice %arg7[%run_scoped3A_3, %dma_wait3A_62] : memref<2x128xi32, #tpu.memory_space<vmem>> -> memref<1x128xi32, #tpu.memory_space<vmem>>
      %dma_wait3A_64 = tpu.memref_squeeze %dma_wait3A_63 : memref<1x128xi32, #tpu.memory_space<vmem>> -> memref<128xi32, #tpu.memory_space<vmem>>
      %dma_wait3A_65 = arith.constant 0 : i32
      %dma_wait3A_66 = tpu.memref_slice %arg3[%add3A, %run_scoped3A, %dma_wait3A_65] : memref<32x80x128xi32, #tpu.memory_space<hbm>> -> memref<1x1x128xi32, #tpu.memory_space<hbm>>
      %dma_wait3A_67 = tpu.memref_squeeze %dma_wait3A_66 : memref<1x1x128xi32, #tpu.memory_space<hbm>> -> memref<128xi32, #tpu.memory_space<hbm>>
      %dma_wait3A_68 = arith.constant 0 : i32
      %dma_wait3A_69 = tpu.memref_slice %arg7[%run_scoped3A_3, %dma_wait3A_68] : memref<2x128xi32, #tpu.memory_space<vmem>> -> memref<1x128xi32, #tpu.memory_space<vmem>>
      %dma_wait3A_70 = tpu.memref_squeeze %dma_wait3A_69 : memref<1x128xi32, #tpu.memory_space<vmem>> -> memref<128xi32, #tpu.memory_space<vmem>>
      %dma_wait3A_71 = arith.constant 0 : i32
      %dma_wait3A_72 = tpu.memref_slice %arg3[%add3A, %run_scoped3A, %dma_wait3A_71] : memref<32x80x128xi32, #tpu.memory_space<hbm>> -> memref<1x1x128xi32, #tpu.memory_space<hbm>>
      %dma_wait3A_73 = tpu.memref_squeeze %dma_wait3A_72 : memref<1x1x128xi32, #tpu.memory_space<hbm>> -> memref<128xi32, #tpu.memory_space<hbm>>
      tpu.wait_dma2 semaphore(%run_scoped3A_49 : memref<!tpu.dma_semaphore, #tpu.memory_space<semaphore_mem>>) src(%dma_wait3A_73 : memref<128xi32, #tpu.memory_space<hbm>>) dst(%dma_wait3A_70 : memref<128xi32, #tpu.memory_space<vmem>>)
      tpu.yield
    }) : () -> ()
    %run_scoped3A_4 = arith.constant 0 : i32
    %run_scoped3A_5 = arith.constant 0 : i32
    "tpu.region"() ({
      %run_scoped3A_49 = tpu.sem_alloc : memref<!tpu.dma_semaphore, #tpu.memory_space<semaphore_mem>>
      %dma_start3A_50 = arith.constant 0 : i32
      %dma_start3A_51 = tpu.memref_slice %arg8[%run_scoped3A_5, %dma_start3A_50] : memref<4x128xi32, #tpu.memory_space<vmem>> -> memref<1x128xi32, #tpu.memory_space<vmem>>
      %dma_start3A_52 = tpu.memref_squeeze %dma_start3A_51 : memref<1x128xi32, #tpu.memory_space<vmem>> -> memref<128xi32, #tpu.memory_space<vmem>>
      %dma_start3A_53 = arith.constant 0 : i32
      %dma_start3A_54 = tpu.memref_slice %arg4[%add3A, %run_scoped3A_4, %dma_start3A_53] : memref<32x80x128xi32, #tpu.memory_space<hbm>> -> memref<1x1x128xi32, #tpu.memory_space<hbm>>
      %dma_start3A_55 = tpu.memref_squeeze %dma_start3A_54 : memref<1x1x128xi32, #tpu.memory_space<hbm>> -> memref<128xi32, #tpu.memory_space<hbm>>
      %dma_start3A_56 = arith.constant 0 : i32
      %dma_start3A_57 = tpu.memref_slice %arg8[%run_scoped3A_5, %dma_start3A_56] : memref<4x128xi32, #tpu.memory_space<vmem>> -> memref<1x128xi32, #tpu.memory_space<vmem>>
      %dma_start3A_58 = tpu.memref_squeeze %dma_start3A_57 : memref<1x128xi32, #tpu.memory_space<vmem>> -> memref<128xi32, #tpu.memory_space<vmem>>
      %dma_start3A_59 = arith.constant 0 : i32
      %dma_start3A_60 = tpu.memref_slice %arg4[%add3A, %run_scoped3A_4, %dma_start3A_59] : memref<32x80x128xi32, #tpu.memory_space<hbm>> -> memref<1x1x128xi32, #tpu.memory_space<hbm>>
      %dma_start3A_61 = tpu.memref_squeeze %dma_start3A_60 : memref<1x1x128xi32, #tpu.memory_space<hbm>> -> memref<128xi32, #tpu.memory_space<hbm>>
      tpu.enqueue_dma source(%dma_start3A_61 : memref<128xi32, #tpu.memory_space<hbm>>) target(%dma_start3A_58 : memref<128xi32, #tpu.memory_space<vmem>>) target_semaphore(%run_scoped3A_49 : memref<!tpu.dma_semaphore, #tpu.memory_space<semaphore_mem>>)
      %dma_wait3A_62 = arith.constant 0 : i32
      %dma_wait3A_63 = tpu.memref_slice %arg8[%run_scoped3A_5, %dma_wait3A_62] : memref<4x128xi32, #tpu.memory_space<vmem>> -> memref<1x128xi32, #tpu.memory_space<vmem>>
      %dma_wait3A_64 = tpu.memref_squeeze %dma_wait3A_63 : memref<1x128xi32, #tpu.memory_space<vmem>> -> memref<128xi32, #tpu.memory_space<vmem>>
      %dma_wait3A_65 = arith.constant 0 : i32
      %dma_wait3A_66 = tpu.memref_slice %arg4[%add3A, %run_scoped3A_4, %dma_wait3A_65] : memref<32x80x128xi32, #tpu.memory_space<hbm>> -> memref<1x1x128xi32, #tpu.memory_space<hbm>>
      %dma_wait3A_67 = tpu.memref_squeeze %dma_wait3A_66 : memref<1x1x128xi32, #tpu.memory_space<hbm>> -> memref<128xi32, #tpu.memory_space<hbm>>
      %dma_wait3A_68 = arith.constant 0 : i32
      %dma_wait3A_69 = tpu.memref_slice %arg8[%run_scoped3A_5, %dma_wait3A_68] : memref<4x128xi32, #tpu.memory_space<vmem>> -> memref<1x128xi32, #tpu.memory_space<vmem>>
      %dma_wait3A_70 = tpu.memref_squeeze %dma_wait3A_69 : memref<1x128xi32, #tpu.memory_space<vmem>> -> memref<128xi32, #tpu.memory_space<vmem>>
      %dma_wait3A_71 = arith.constant 0 : i32
      %dma_wait3A_72 = tpu.memref_slice %arg4[%add3A, %run_scoped3A_4, %dma_wait3A_71] : memref<32x80x128xi32, #tpu.memory_space<hbm>> -> memref<1x1x128xi32, #tpu.memory_space<hbm>>
      %dma_wait3A_73 = tpu.memref_squeeze %dma_wait3A_72 : memref<1x1x128xi32, #tpu.memory_space<hbm>> -> memref<128xi32, #tpu.memory_space<hbm>>
      tpu.wait_dma2 semaphore(%run_scoped3A_49 : memref<!tpu.dma_semaphore, #tpu.memory_space<semaphore_mem>>) src(%dma_wait3A_73 : memref<128xi32, #tpu.memory_space<hbm>>) dst(%dma_wait3A_70 : memref<128xi32, #tpu.memory_space<vmem>>)
      tpu.yield
    }) : () -> ()
    %dma_start3A = arith.constant 0 : i32
    %dma_start3A_6 = arith.constant 0 : i32
    %dma_start3A_7 = arith.constant 0 : i32
    %dma_start3A_8 = arith.constant 0 : i32
    %dma_start3A_9 = tpu.memref_slice %arg9[%dma_start3A_6, %dma_start3A_7, %dma_start3A_8] : memref<2x128x128xf32, #tpu.memory_space<vmem>> -> memref<1x128x128xf32, #tpu.memory_space<vmem>>
    %dma_start3A_10 = tpu.memref_squeeze %dma_start3A_9 : memref<1x128x128xf32, #tpu.memory_space<vmem>> -> memref<128x128xf32, #tpu.memory_space<vmem>>
    %dma_start3A_11 = arith.constant 0 : i32
    %dma_start3A_12 = tpu.memref_slice %arg7[%dma_start3A, %dma_start3A_11] : memref<2x128xi32, #tpu.memory_space<vmem>> -> memref<1x128xi32, #tpu.memory_space<vmem>>
    %dma_start3A_13 = tpu.memref_squeeze %dma_start3A_12 : memref<1x128xi32, #tpu.memory_space<vmem>> -> memref<128xi32, #tpu.memory_space<vmem>>
    %dma_start3A_14 = arith.constant 0 : i32
    %dma_start3A_15 = arith.constant 0 : i32
    %dma_start3A_16 = tpu.memref_slice %arg2[%dma_start3A_14, %dma_start3A_15] : memref<10000x128xf32, #tpu.memory_space<hbm>> -> memref<10000x128xf32, #tpu.memory_space<hbm>>
    tpu.enqueue_indirect_dma source(%dma_start3A_16 : memref<10000x128xf32, #tpu.memory_space<hbm>>) target(%dma_start3A_10 : memref<128x128xf32, #tpu.memory_space<vmem>>) offsets(%dma_start3A_13 : memref<128xi32, #tpu.memory_space<vmem>>) semaphore(%arg11 : memref<!tpu.dma_semaphore, #tpu.memory_space<semaphore_mem>>)
    %scan3A = arith.constant 0 : i32
    %scan3A_17 = arith.constant 0 : i32
    %scan3A_18 = arith.constant 80 : i32
    %scan3A_19 = arith.addi %scan3A_17, %scan3A_18 : i32
    %scan3A_20 = arith.constant 1 : i32
    scf.for %scan3A_49 = %scan3A_17 to %scan3A_19 step %scan3A_20  : i32 {
      %rem3A_50 = arith.constant 2 : i32
      %rem3A_51 = arith.remsi %scan3A_49, %rem3A_50 : i32
      %add3A_52 = arith.constant 1 : i32
      %add3A_53 = arith.addi %scan3A_49, %add3A_52 : i32
      %rem3A_54 = arith.constant 2 : i32
      %rem3A_55 = arith.remsi %add3A_53, %rem3A_54 : i32
      %add3A_56 = arith.constant 1 : i32
      %add3A_57 = arith.addi %scan3A_49, %add3A_56 : i32
      %min3A = arith.constant 79 : i32
      %min3A_58 = arith.minsi %add3A_57, %min3A : i32
      "tpu.region"() ({
        %run_scoped3A_97 = tpu.sem_alloc : memref<!tpu.dma_semaphore, #tpu.memory_space<semaphore_mem>>
        %dma_start3A_98 = arith.constant 0 : i32
        %dma_start3A_99 = tpu.memref_slice %arg7[%rem3A_55, %dma_start3A_98] : memref<2x128xi32, #tpu.memory_space<vmem>> -> memref<1x128xi32, #tpu.memory_space<vmem>>
        %dma_start3A_100 = tpu.memref_squeeze %dma_start3A_99 : memref<1x128xi32, #tpu.memory_space<vmem>> -> memref<128xi32, #tpu.memory_space<vmem>>
        %dma_start3A_101 = arith.constant 0 : i32
        %dma_start3A_102 = tpu.memref_slice %arg3[%add3A, %min3A_58, %dma_start3A_101] : memref<32x80x128xi32, #tpu.memory_space<hbm>> -> memref<1x1x128xi32, #tpu.memory_space<hbm>>
        %dma_start3A_103 = tpu.memref_squeeze %dma_start3A_102 : memref<1x1x128xi32, #tpu.memory_space<hbm>> -> memref<128xi32, #tpu.memory_space<hbm>>
        %dma_start3A_104 = arith.constant 0 : i32
        %dma_start3A_105 = tpu.memref_slice %arg7[%rem3A_55, %dma_start3A_104] : memref<2x128xi32, #tpu.memory_space<vmem>> -> memref<1x128xi32, #tpu.memory_space<vmem>>
        %dma_start3A_106 = tpu.memref_squeeze %dma_start3A_105 : memref<1x128xi32, #tpu.memory_space<vmem>> -> memref<128xi32, #tpu.memory_space<vmem>>
        %dma_start3A_107 = arith.constant 0 : i32
        %dma_start3A_108 = tpu.memref_slice %arg3[%add3A, %min3A_58, %dma_start3A_107] : memref<32x80x128xi32, #tpu.memory_space<hbm>> -> memref<1x1x128xi32, #tpu.memory_space<hbm>>
        %dma_start3A_109 = tpu.memref_squeeze %dma_start3A_108 : memref<1x1x128xi32, #tpu.memory_space<hbm>> -> memref<128xi32, #tpu.memory_space<hbm>>
        tpu.enqueue_dma source(%dma_start3A_109 : memref<128xi32, #tpu.memory_space<hbm>>) target(%dma_start3A_106 : memref<128xi32, #tpu.memory_space<vmem>>) target_semaphore(%run_scoped3A_97 : memref<!tpu.dma_semaphore, #tpu.memory_space<semaphore_mem>>)
        %dma_wait3A_110 = arith.constant 0 : i32
        %dma_wait3A_111 = tpu.memref_slice %arg7[%rem3A_55, %dma_wait3A_110] : memref<2x128xi32, #tpu.memory_space<vmem>> -> memref<1x128xi32, #tpu.memory_space<vmem>>
        %dma_wait3A_112 = tpu.memref_squeeze %dma_wait3A_111 : memref<1x128xi32, #tpu.memory_space<vmem>> -> memref<128xi32, #tpu.memory_space<vmem>>
        %dma_wait3A_113 = arith.constant 0 : i32
        %dma_wait3A_114 = tpu.memref_slice %arg3[%add3A, %min3A_58, %dma_wait3A_113] : memref<32x80x128xi32, #tpu.memory_space<hbm>> -> memref<1x1x128xi32, #tpu.memory_space<hbm>>
        %dma_wait3A_115 = tpu.memref_squeeze %dma_wait3A_114 : memref<1x1x128xi32, #tpu.memory_space<hbm>> -> memref<128xi32, #tpu.memory_space<hbm>>
        %dma_wait3A_116 = arith.constant 0 : i32
        %dma_wait3A_117 = tpu.memref_slice %arg7[%rem3A_55, %dma_wait3A_116] : memref<2x128xi32, #tpu.memory_space<vmem>> -> memref<1x128xi32, #tpu.memory_space<vmem>>
        %dma_wait3A_118 = tpu.memref_squeeze %dma_wait3A_117 : memref<1x128xi32, #tpu.memory_space<vmem>> -> memref<128xi32, #tpu.memory_space<vmem>>
        %dma_wait3A_119 = arith.constant 0 : i32
        %dma_wait3A_120 = tpu.memref_slice %arg3[%add3A, %min3A_58, %dma_wait3A_119] : memref<32x80x128xi32, #tpu.memory_space<hbm>> -> memref<1x1x128xi32, #tpu.memory_space<hbm>>
        %dma_wait3A_121 = tpu.memref_squeeze %dma_wait3A_120 : memref<1x1x128xi32, #tpu.memory_space<hbm>> -> memref<128xi32, #tpu.memory_space<hbm>>
        tpu.wait_dma2 semaphore(%run_scoped3A_97 : memref<!tpu.dma_semaphore, #tpu.memory_space<semaphore_mem>>) src(%dma_wait3A_121 : memref<128xi32, #tpu.memory_space<hbm>>) dst(%dma_wait3A_118 : memref<128xi32, #tpu.memory_space<vmem>>)
        tpu.yield
      }) : () -> ()
      %add3A_59 = arith.constant 1 : i32
      %add3A_60 = arith.addi %scan3A_49, %add3A_59 : i32
      %rem3A_61 = arith.constant 4 : i32
      %rem3A_62 = arith.remsi %add3A_60, %rem3A_61 : i32
      "tpu.region"() ({
        %run_scoped3A_97 = tpu.sem_alloc : memref<!tpu.dma_semaphore, #tpu.memory_space<semaphore_mem>>
        %dma_start3A_98 = arith.constant 0 : i32
        %dma_start3A_99 = tpu.memref_slice %arg8[%rem3A_62, %dma_start3A_98] : memref<4x128xi32, #tpu.memory_space<vmem>> -> memref<1x128xi32, #tpu.memory_space<vmem>>
        %dma_start3A_100 = tpu.memref_squeeze %dma_start3A_99 : memref<1x128xi32, #tpu.memory_space<vmem>> -> memref<128xi32, #tpu.memory_space<vmem>>
        %dma_start3A_101 = arith.constant 0 : i32
        %dma_start3A_102 = tpu.memref_slice %arg4[%add3A, %min3A_58, %dma_start3A_101] : memref<32x80x128xi32, #tpu.memory_space<hbm>> -> memref<1x1x128xi32, #tpu.memory_space<hbm>>
        %dma_start3A_103 = tpu.memref_squeeze %dma_start3A_102 : memref<1x1x128xi32, #tpu.memory_space<hbm>> -> memref<128xi32, #tpu.memory_space<hbm>>
        %dma_start3A_104 = arith.constant 0 : i32
        %dma_start3A_105 = tpu.memref_slice %arg8[%rem3A_62, %dma_start3A_104] : memref<4x128xi32, #tpu.memory_space<vmem>> -> memref<1x128xi32, #tpu.memory_space<vmem>>
        %dma_start3A_106 = tpu.memref_squeeze %dma_start3A_105 : memref<1x128xi32, #tpu.memory_space<vmem>> -> memref<128xi32, #tpu.memory_space<vmem>>
        %dma_start3A_107 = arith.constant 0 : i32
        %dma_start3A_108 = tpu.memref_slice %arg4[%add3A, %min3A_58, %dma_start3A_107] : memref<32x80x128xi32, #tpu.memory_space<hbm>> -> memref<1x1x128xi32, #tpu.memory_space<hbm>>
        %dma_start3A_109 = tpu.memref_squeeze %dma_start3A_108 : memref<1x1x128xi32, #tpu.memory_space<hbm>> -> memref<128xi32, #tpu.memory_space<hbm>>
        tpu.enqueue_dma source(%dma_start3A_109 : memref<128xi32, #tpu.memory_space<hbm>>) target(%dma_start3A_106 : memref<128xi32, #tpu.memory_space<vmem>>) target_semaphore(%run_scoped3A_97 : memref<!tpu.dma_semaphore, #tpu.memory_space<semaphore_mem>>)
        %dma_wait3A_110 = arith.constant 0 : i32
        %dma_wait3A_111 = tpu.memref_slice %arg8[%rem3A_62, %dma_wait3A_110] : memref<4x128xi32, #tpu.memory_space<vmem>> -> memref<1x128xi32, #tpu.memory_space<vmem>>
        %dma_wait3A_112 = tpu.memref_squeeze %dma_wait3A_111 : memref<1x128xi32, #tpu.memory_space<vmem>> -> memref<128xi32, #tpu.memory_space<vmem>>
        %dma_wait3A_113 = arith.constant 0 : i32
        %dma_wait3A_114 = tpu.memref_slice %arg4[%add3A, %min3A_58, %dma_wait3A_113] : memref<32x80x128xi32, #tpu.memory_space<hbm>> -> memref<1x1x128xi32, #tpu.memory_space<hbm>>
        %dma_wait3A_115 = tpu.memref_squeeze %dma_wait3A_114 : memref<1x1x128xi32, #tpu.memory_space<hbm>> -> memref<128xi32, #tpu.memory_space<hbm>>
        %dma_wait3A_116 = arith.constant 0 : i32
        %dma_wait3A_117 = tpu.memref_slice %arg8[%rem3A_62, %dma_wait3A_116] : memref<4x128xi32, #tpu.memory_space<vmem>> -> memref<1x128xi32, #tpu.memory_space<vmem>>
        %dma_wait3A_118 = tpu.memref_squeeze %dma_wait3A_117 : memref<1x128xi32, #tpu.memory_space<vmem>> -> memref<128xi32, #tpu.memory_space<vmem>>
        %dma_wait3A_119 = arith.constant 0 : i32
        %dma_wait3A_120 = tpu.memref_slice %arg4[%add3A, %min3A_58, %dma_wait3A_119] : memref<32x80x128xi32, #tpu.memory_space<hbm>> -> memref<1x1x128xi32, #tpu.memory_space<hbm>>
        %dma_wait3A_121 = tpu.memref_squeeze %dma_wait3A_120 : memref<1x1x128xi32, #tpu.memory_space<hbm>> -> memref<128xi32, #tpu.memory_space<hbm>>
        tpu.wait_dma2 semaphore(%run_scoped3A_97 : memref<!tpu.dma_semaphore, #tpu.memory_space<semaphore_mem>>) src(%dma_wait3A_121 : memref<128xi32, #tpu.memory_space<hbm>>) dst(%dma_wait3A_118 : memref<128xi32, #tpu.memory_space<vmem>>)
        tpu.yield
      }) : () -> ()
      %dma_wait3A_63 = arith.constant 0 : i32
      %dma_wait3A_64 = arith.constant 0 : i32
      %dma_wait3A_65 = tpu.memref_slice %arg9[%rem3A_51, %dma_wait3A_63, %dma_wait3A_64] : memref<2x128x128xf32, #tpu.memory_space<vmem>> -> memref<1x128x128xf32, #tpu.memory_space<vmem>>
      %dma_wait3A_66 = tpu.memref_squeeze %dma_wait3A_65 : memref<1x128x128xf32, #tpu.memory_space<vmem>> -> memref<128x128xf32, #tpu.memory_space<vmem>>
      %dma_wait3A_67 = arith.constant 0 : i32
      %dma_wait3A_68 = tpu.memref_slice %arg7[%rem3A_51, %dma_wait3A_67] : memref<2x128xi32, #tpu.memory_space<vmem>> -> memref<1x128xi32, #tpu.memory_space<vmem>>
      %dma_wait3A_69 = tpu.memref_squeeze %dma_wait3A_68 : memref<1x128xi32, #tpu.memory_space<vmem>> -> memref<128xi32, #tpu.memory_space<vmem>>
      %dma_wait3A_70 = arith.constant 0 : i32
      %dma_wait3A_71 = arith.constant 0 : i32
      %dma_wait3A_72 = tpu.memref_slice %arg2[%dma_wait3A_70, %dma_wait3A_71] : memref<10000x128xf32, #tpu.memory_space<hbm>> -> memref<10000x128xf32, #tpu.memory_space<hbm>>
      tpu.wait_indirect_dma semaphore(%arg11 : memref<!tpu.dma_semaphore, #tpu.memory_space<semaphore_mem>>) src(%dma_wait3A_72 : memref<10000x128xf32, #tpu.memory_space<hbm>>) dst(%dma_wait3A_66 : memref<128x128xf32, #tpu.memory_space<vmem>>)
      %ge3A = arith.constant 1 : i32
      %ge3A_73 = arith.cmpi sge, %scan3A_49, %ge3A : i32
      %convert_element_type3A = arith.extui %ge3A_73 : i1 to i32
      %cond3A = arith.constant 0 : i32
      %cond3A_74 = arith.cmpi ne, %convert_element_type3A, %cond3A : i32
      scf.if %cond3A_74 {
        %add3A_97 = arith.constant 3 : i32
        %add3A_98 = arith.addi %scan3A_49, %add3A_97 : i32
        %rem3A_99 = arith.constant 4 : i32
        %rem3A_100 = arith.remsi %add3A_98, %rem3A_99 : i32
        %dma_wait3A_101 = arith.constant 0 : i32
        %dma_wait3A_102 = arith.constant 0 : i32
        %dma_wait3A_103 = tpu.memref_slice %arg9[%rem3A_55, %dma_wait3A_101, %dma_wait3A_102] : memref<2x128x128xf32, #tpu.memory_space<vmem>> -> memref<1x128x128xf32, #tpu.memory_space<vmem>>
        %dma_wait3A_104 = tpu.memref_squeeze %dma_wait3A_103 : memref<1x128x128xf32, #tpu.memory_space<vmem>> -> memref<128x128xf32, #tpu.memory_space<vmem>>
        %dma_wait3A_105 = arith.constant 0 : i32
        %dma_wait3A_106 = tpu.memref_slice %arg8[%rem3A_100, %dma_wait3A_105] : memref<4x128xi32, #tpu.memory_space<vmem>> -> memref<1x128xi32, #tpu.memory_space<vmem>>
        %dma_wait3A_107 = tpu.memref_squeeze %dma_wait3A_106 : memref<1x128xi32, #tpu.memory_space<vmem>> -> memref<128xi32, #tpu.memory_space<vmem>>
        %dma_wait3A_108 = arith.constant 0 : i32
        %dma_wait3A_109 = arith.constant 0 : i32
        %dma_wait3A_110 = tpu.memref_slice %arg10[%dma_wait3A_108, %dma_wait3A_109] : memref<10240x128xf32, #tpu.memory_space<vmem_shared>> -> memref<10240x128xf32, #tpu.memory_space<vmem_shared>>
        tpu.wait_indirect_dma semaphore(%arg12 : memref<!tpu.dma_semaphore, #tpu.memory_space<semaphore_mem>>) src(%dma_wait3A_104 : memref<128x128xf32, #tpu.memory_space<vmem>>) dst(%dma_wait3A_110 : memref<10240x128xf32, #tpu.memory_space<vmem_shared>>)
      } else {
      }
      %dma_start3A_75 = arith.constant 0 : i32
      %dma_start3A_76 = arith.constant 0 : i32
      %dma_start3A_77 = tpu.memref_slice %arg9[%rem3A_55, %dma_start3A_75, %dma_start3A_76] : memref<2x128x128xf32, #tpu.memory_space<vmem>> -> memref<1x128x128xf32, #tpu.memory_space<vmem>>
      %dma_start3A_78 = tpu.memref_squeeze %dma_start3A_77 : memref<1x128x128xf32, #tpu.memory_space<vmem>> -> memref<128x128xf32, #tpu.memory_space<vmem>>
      %dma_start3A_79 = arith.constant 0 : i32
      %dma_start3A_80 = tpu.memref_slice %arg7[%rem3A_55, %dma_start3A_79] : memref<2x128xi32, #tpu.memory_space<vmem>> -> memref<1x128xi32, #tpu.memory_space<vmem>>
      %dma_start3A_81 = tpu.memref_squeeze %dma_start3A_80 : memref<1x128xi32, #tpu.memory_space<vmem>> -> memref<128xi32, #tpu.memory_space<vmem>>
      %dma_start3A_82 = arith.constant 0 : i32
      %dma_start3A_83 = arith.constant 0 : i32
      %dma_start3A_84 = tpu.memref_slice %arg2[%dma_start3A_82, %dma_start3A_83] : memref<10000x128xf32, #tpu.memory_space<hbm>> -> memref<10000x128xf32, #tpu.memory_space<hbm>>
      tpu.enqueue_indirect_dma source(%dma_start3A_84 : memref<10000x128xf32, #tpu.memory_space<hbm>>) target(%dma_start3A_78 : memref<128x128xf32, #tpu.memory_space<vmem>>) offsets(%dma_start3A_81 : memref<128xi32, #tpu.memory_space<vmem>>) semaphore(%arg11 : memref<!tpu.dma_semaphore, #tpu.memory_space<semaphore_mem>>)
      %rem3A_85 = arith.constant 4 : i32
      %rem3A_86 = arith.remsi %scan3A_49, %rem3A_85 : i32
      %dma_start3A_87 = arith.constant 0 : i32
      %dma_start3A_88 = arith.constant 0 : i32
      %dma_start3A_89 = tpu.memref_slice %arg9[%rem3A_51, %dma_start3A_87, %dma_start3A_88] : memref<2x128x128xf32, #tpu.memory_space<vmem>> -> memref<1x128x128xf32, #tpu.memory_space<vmem>>
      %dma_start3A_90 = tpu.memref_squeeze %dma_start3A_89 : memref<1x128x128xf32, #tpu.memory_space<vmem>> -> memref<128x128xf32, #tpu.memory_space<vmem>>
      %dma_start3A_91 = arith.constant 0 : i32
      %dma_start3A_92 = tpu.memref_slice %arg8[%rem3A_86, %dma_start3A_91] : memref<4x128xi32, #tpu.memory_space<vmem>> -> memref<1x128xi32, #tpu.memory_space<vmem>>
      %dma_start3A_93 = tpu.memref_squeeze %dma_start3A_92 : memref<1x128xi32, #tpu.memory_space<vmem>> -> memref<128xi32, #tpu.memory_space<vmem>>
      %dma_start3A_94 = arith.constant 0 : i32
      %dma_start3A_95 = arith.constant 0 : i32
      %dma_start3A_96 = tpu.memref_slice %arg10[%dma_start3A_94, %dma_start3A_95] : memref<10240x128xf32, #tpu.memory_space<vmem_shared>> -> memref<10240x128xf32, #tpu.memory_space<vmem_shared>>
      tpu.enqueue_indirect_dma source(%dma_start3A_90 : memref<128x128xf32, #tpu.memory_space<vmem>>) target(%dma_start3A_96 : memref<10240x128xf32, #tpu.memory_space<vmem_shared>>) offsets(%dma_start3A_93 : memref<128xi32, #tpu.memory_space<vmem>>) semaphore(%arg12 : memref<!tpu.dma_semaphore, #tpu.memory_space<semaphore_mem>>) {add = true}
    }
    %scan3A_21 = arith.constant 80 : i32
    %rem3A = arith.constant 79 : i32
    %rem3A_22 = arith.constant 2 : i32
    %rem3A_23 = arith.remsi %rem3A, %rem3A_22 : i32
    %rem3A_24 = arith.constant 79 : i32
    %rem3A_25 = arith.constant 4 : i32
    %rem3A_26 = arith.remsi %rem3A_24, %rem3A_25 : i32
    %dma_wait3A = arith.constant 0 : i32
    %dma_wait3A_27 = arith.constant 0 : i32
    %dma_wait3A_28 = tpu.memref_slice %arg9[%rem3A_23, %dma_wait3A, %dma_wait3A_27] : memref<2x128x128xf32, #tpu.memory_space<vmem>> -> memref<1x128x128xf32, #tpu.memory_space<vmem>>
    %dma_wait3A_29 = tpu.memref_squeeze %dma_wait3A_28 : memref<1x128x128xf32, #tpu.memory_space<vmem>> -> memref<128x128xf32, #tpu.memory_space<vmem>>
    %dma_wait3A_30 = arith.constant 0 : i32
    %dma_wait3A_31 = tpu.memref_slice %arg8[%rem3A_26, %dma_wait3A_30] : memref<4x128xi32, #tpu.memory_space<vmem>> -> memref<1x128xi32, #tpu.memory_space<vmem>>
    %dma_wait3A_32 = tpu.memref_squeeze %dma_wait3A_31 : memref<1x128xi32, #tpu.memory_space<vmem>> -> memref<128xi32, #tpu.memory_space<vmem>>
    %dma_wait3A_33 = arith.constant 0 : i32
    %dma_wait3A_34 = arith.constant 0 : i32
    %dma_wait3A_35 = tpu.memref_slice %arg10[%dma_wait3A_33, %dma_wait3A_34] : memref<10240x128xf32, #tpu.memory_space<vmem_shared>> -> memref<10240x128xf32, #tpu.memory_space<vmem_shared>>
    tpu.wait_indirect_dma semaphore(%arg12 : memref<!tpu.dma_semaphore, #tpu.memory_space<semaphore_mem>>) src(%dma_wait3A_29 : memref<128x128xf32, #tpu.memory_space<vmem>>) dst(%dma_wait3A_35 : memref<10240x128xf32, #tpu.memory_space<vmem_shared>>)
    %dma_wait3A_36 = arith.constant 0 : i32
    %dma_wait3A_37 = arith.constant 0 : i32
    %dma_wait3A_38 = arith.constant 0 : i32
    %dma_wait3A_39 = arith.constant 0 : i32
    %dma_wait3A_40 = tpu.memref_slice %arg9[%dma_wait3A_37, %dma_wait3A_38, %dma_wait3A_39] : memref<2x128x128xf32, #tpu.memory_space<vmem>> -> memref<1x128x128xf32, #tpu.memory_space<vmem>>
    %dma_wait3A_41 = tpu.memref_squeeze %dma_wait3A_40 : memref<1x128x128xf32, #tpu.memory_space<vmem>> -> memref<128x128xf32, #tpu.memory_space<vmem>>
    %dma_wait3A_42 = arith.constant 0 : i32
    %dma_wait3A_43 = tpu.memref_slice %arg7[%dma_wait3A_36, %dma_wait3A_42] : memref<2x128xi32, #tpu.memory_space<vmem>> -> memref<1x128xi32, #tpu.memory_space<vmem>>
    %dma_wait3A_44 = tpu.memref_squeeze %dma_wait3A_43 : memref<1x128xi32, #tpu.memory_space<vmem>> -> memref<128xi32, #tpu.memory_space<vmem>>
    %dma_wait3A_45 = arith.constant 0 : i32
    %dma_wait3A_46 = arith.constant 0 : i32
    %dma_wait3A_47 = tpu.memref_slice %arg2[%dma_wait3A_45, %dma_wait3A_46] : memref<10000x128xf32, #tpu.memory_space<hbm>> -> memref<10000x128xf32, #tpu.memory_space<hbm>>
    tpu.wait_indirect_dma semaphore(%arg11 : memref<!tpu.dma_semaphore, #tpu.memory_space<semaphore_mem>>) src(%dma_wait3A_47 : memref<10000x128xf32, #tpu.memory_space<hbm>>) dst(%dma_wait3A_41 : memref<128x128xf32, #tpu.memory_space<vmem>>)
    %barrier3A_48 = arith.constant 0 : index
    tpu.barrier barrier_id(%barrier3A_48)
    "tpu.region"() ({
      %run_scoped3A_49 = tpu.sem_alloc : memref<!tpu.dma_semaphore, #tpu.memory_space<semaphore_mem>>
      %dma_start3A_50 = arith.constant 0 : i32
      %dma_start3A_51 = tpu.memref_slice %arg6[%arg0, %mul3A_2, %dma_start3A_50] : memref<2x10240x128xf32, #tpu.memory_space<hbm>> -> memref<1x640x128xf32, #tpu.memory_space<hbm>>
      %dma_start3A_52 = tpu.memref_squeeze %dma_start3A_51 : memref<1x640x128xf32, #tpu.memory_space<hbm>> -> memref<640x128xf32, #tpu.memory_space<hbm>>
      %dma_start3A_53 = arith.constant 0 : i32
      %dma_start3A_54 = tpu.memref_slice %arg10[%mul3A_2, %dma_start3A_53] : memref<10240x128xf32, #tpu.memory_space<vmem_shared>> -> memref<640x128xf32, #tpu.memory_space<vmem_shared>>
      tpu.enqueue_dma source(%dma_start3A_54 : memref<640x128xf32, #tpu.memory_space<vmem_shared>>) target(%dma_start3A_52 : memref<640x128xf32, #tpu.memory_space<hbm>>) target_semaphore(%run_scoped3A_49 : memref<!tpu.dma_semaphore, #tpu.memory_space<semaphore_mem>>)
      %dma_wait3A_55 = arith.constant 0 : i32
      %dma_wait3A_56 = tpu.memref_slice %arg6[%arg0, %mul3A_2, %dma_wait3A_55] : memref<2x10240x128xf32, #tpu.memory_space<hbm>> -> memref<1x640x128xf32, #tpu.memory_space<hbm>>
      %dma_wait3A_57 = tpu.memref_squeeze %dma_wait3A_56 : memref<1x640x128xf32, #tpu.memory_space<hbm>> -> memref<640x128xf32, #tpu.memory_space<hbm>>
      %dma_wait3A_58 = arith.constant 0 : i32
      %dma_wait3A_59 = tpu.memref_slice %arg10[%mul3A_2, %dma_wait3A_58] : memref<10240x128xf32, #tpu.memory_space<vmem_shared>> -> memref<640x128xf32, #tpu.memory_space<vmem_shared>>
      tpu.wait_dma2 semaphore(%run_scoped3A_49 : memref<!tpu.dma_semaphore, #tpu.memory_space<semaphore_mem>>) src(%dma_wait3A_59 : memref<640x128xf32, #tpu.memory_space<vmem_shared>>) dst(%dma_wait3A_57 : memref<640x128xf32, #tpu.memory_space<hbm>>)
      tpu.yield
    }) : () -> ()
    return
  }
}

#map = affine_map<(d0, d1) -> (0, 0)>
#map1 = affine_map<(d0, d1) -> (0, 0, 0)>
module attributes {stable_mosaic.version = 14 : i64} {
  func.func @_sc_agg_body(%arg0: i32, %arg1: i32, %arg2: memref<10000x128xf32, #tpu.memory_space<hbm>>, %arg3: memref<32x80x128xi32, #tpu.memory_space<hbm>>, %arg4: memref<32x80x128xi32, #tpu.memory_space<hbm>>, %arg5: memref<10240x128xf32, #tpu.memory_space<hbm>>, %arg6: memref<2x10240x128xf32, #tpu.memory_space<hbm>>, %arg7: memref<2x128xi32, #tpu.memory_space<vmem>>, %arg8: memref<4x128xi32, #tpu.memory_space<vmem>>, %arg9: memref<2x128x128xf32, #tpu.memory_space<vmem>>, %arg10: memref<10240x128xf32, #tpu.memory_space<vmem_shared>>, %arg11: memref<!tpu.dma_semaphore, #tpu.memory_space<semaphore_mem>>, %arg12: memref<!tpu.dma_semaphore, #tpu.memory_space<semaphore_mem>>) attributes {dimension_semantics = [#tpu.dimension_semantics<core_parallel>, #tpu.dimension_semantics<subcore_parallel>], iteration_bounds = array<i64: 2, 16>, scalar_prefetch = 0 : i64, scratch_operands = 6 : i64, tpu.core_type = #tpu.core_type<sc_vector_subcore>, window_params = [{transform_indices = #map}, {transform_indices = #map1}, {transform_indices = #map1}, {transform_indices = #map}, {transform_indices = #map1}]} {
    %mul3A = arith.constant 2 : i32
    %mul3A_0 = arith.muli %arg1, %mul3A : i32
    %add3A = arith.addi %mul3A_0, %arg0 : i32
    %mul3A_1 = arith.constant 640 : i32
    %mul3A_2 = arith.muli %arg1, %mul3A_1 : i32
    "tpu.region"() ({
      %run_scoped3A_49 = tpu.sem_alloc : memref<!tpu.dma_semaphore, #tpu.memory_space<semaphore_mem>>
      %dma_start3A_50 = arith.constant 0 : i32
      %dma_start3A_51 = tpu.memref_slice %arg10[%mul3A_2, %dma_start3A_50] : memref<10240x128xf32, #tpu.memory_space<vmem_shared>> -> memref<640x128xf32, #tpu.memory_space<vmem_shared>>
      %dma_start3A_52 = arith.constant 0 : i32
      %dma_start3A_53 = tpu.memref_slice %arg5[%mul3A_2, %dma_start3A_52] : memref<10240x128xf32, #tpu.memory_space<hbm>> -> memref<640x128xf32, #tpu.memory_space<hbm>>
      tpu.enqueue_dma source(%dma_start3A_53 : memref<640x128xf32, #tpu.memory_space<hbm>>) target(%dma_start3A_51 : memref<640x128xf32, #tpu.memory_space<vmem_shared>>) target_semaphore(%run_scoped3A_49 : memref<!tpu.dma_semaphore, #tpu.memory_space<semaphore_mem>>)
      %dma_wait3A_54 = arith.constant 0 : i32
      %dma_wait3A_55 = tpu.memref_slice %arg10[%mul3A_2, %dma_wait3A_54] : memref<10240x128xf32, #tpu.memory_space<vmem_shared>> -> memref<640x128xf32, #tpu.memory_space<vmem_shared>>
      %dma_wait3A_56 = arith.constant 0 : i32
      %dma_wait3A_57 = tpu.memref_slice %arg5[%mul3A_2, %dma_wait3A_56] : memref<10240x128xf32, #tpu.memory_space<hbm>> -> memref<640x128xf32, #tpu.memory_space<hbm>>
      tpu.wait_dma2 semaphore(%run_scoped3A_49 : memref<!tpu.dma_semaphore, #tpu.memory_space<semaphore_mem>>) src(%dma_wait3A_57 : memref<640x128xf32, #tpu.memory_space<hbm>>) dst(%dma_wait3A_55 : memref<640x128xf32, #tpu.memory_space<vmem_shared>>)
      tpu.yield
    }) : () -> ()
    %barrier3A = arith.constant 0 : index
    tpu.barrier barrier_id(%barrier3A)
    %run_scoped3A = arith.constant 0 : i32
    %run_scoped3A_3 = arith.constant 0 : i32
    "tpu.region"() ({
      %run_scoped3A_49 = tpu.sem_alloc : memref<!tpu.dma_semaphore, #tpu.memory_space<semaphore_mem>>
      %dma_start3A_50 = arith.constant 0 : i32
      %dma_start3A_51 = tpu.memref_slice %arg7[%run_scoped3A_3, %dma_start3A_50] : memref<2x128xi32, #tpu.memory_space<vmem>> -> memref<1x128xi32, #tpu.memory_space<vmem>>
      %dma_start3A_52 = tpu.memref_squeeze %dma_start3A_51 : memref<1x128xi32, #tpu.memory_space<vmem>> -> memref<128xi32, #tpu.memory_space<vmem>>
      %dma_start3A_53 = arith.constant 0 : i32
      %dma_start3A_54 = tpu.memref_slice %arg3[%add3A, %run_scoped3A, %dma_start3A_53] : memref<32x80x128xi32, #tpu.memory_space<hbm>> -> memref<1x1x128xi32, #tpu.memory_space<hbm>>
      %dma_start3A_55 = tpu.memref_squeeze %dma_start3A_54 : memref<1x1x128xi32, #tpu.memory_space<hbm>> -> memref<128xi32, #tpu.memory_space<hbm>>
      %dma_start3A_56 = arith.constant 0 : i32
      %dma_start3A_57 = tpu.memref_slice %arg7[%run_scoped3A_3, %dma_start3A_56] : memref<2x128xi32, #tpu.memory_space<vmem>> -> memref<1x128xi32, #tpu.memory_space<vmem>>
      %dma_start3A_58 = tpu.memref_squeeze %dma_start3A_57 : memref<1x128xi32, #tpu.memory_space<vmem>> -> memref<128xi32, #tpu.memory_space<vmem>>
      %dma_start3A_59 = arith.constant 0 : i32
      %dma_start3A_60 = tpu.memref_slice %arg3[%add3A, %run_scoped3A, %dma_start3A_59] : memref<32x80x128xi32, #tpu.memory_space<hbm>> -> memref<1x1x128xi32, #tpu.memory_space<hbm>>
      %dma_start3A_61 = tpu.memref_squeeze %dma_start3A_60 : memref<1x1x128xi32, #tpu.memory_space<hbm>> -> memref<128xi32, #tpu.memory_space<hbm>>
      tpu.enqueue_dma source(%dma_start3A_61 : memref<128xi32, #tpu.memory_space<hbm>>) target(%dma_start3A_58 : memref<128xi32, #tpu.memory_space<vmem>>) target_semaphore(%run_scoped3A_49 : memref<!tpu.dma_semaphore, #tpu.memory_space<semaphore_mem>>)
      %dma_wait3A_62 = arith.constant 0 : i32
      %dma_wait3A_63 = tpu.memref_slice %arg7[%run_scoped3A_3, %dma_wait3A_62] : memref<2x128xi32, #tpu.memory_space<vmem>> -> memref<1x128xi32, #tpu.memory_space<vmem>>
      %dma_wait3A_64 = tpu.memref_squeeze %dma_wait3A_63 : memref<1x128xi32, #tpu.memory_space<vmem>> -> memref<128xi32, #tpu.memory_space<vmem>>
      %dma_wait3A_65 = arith.constant 0 : i32
      %dma_wait3A_66 = tpu.memref_slice %arg3[%add3A, %run_scoped3A, %dma_wait3A_65] : memref<32x80x128xi32, #tpu.memory_space<hbm>> -> memref<1x1x128xi32, #tpu.memory_space<hbm>>
      %dma_wait3A_67 = tpu.memref_squeeze %dma_wait3A_66 : memref<1x1x128xi32, #tpu.memory_space<hbm>> -> memref<128xi32, #tpu.memory_space<hbm>>
      %dma_wait3A_68 = arith.constant 0 : i32
      %dma_wait3A_69 = tpu.memref_slice %arg7[%run_scoped3A_3, %dma_wait3A_68] : memref<2x128xi32, #tpu.memory_space<vmem>> -> memref<1x128xi32, #tpu.memory_space<vmem>>
      %dma_wait3A_70 = tpu.memref_squeeze %dma_wait3A_69 : memref<1x128xi32, #tpu.memory_space<vmem>> -> memref<128xi32, #tpu.memory_space<vmem>>
      %dma_wait3A_71 = arith.constant 0 : i32
      %dma_wait3A_72 = tpu.memref_slice %arg3[%add3A, %run_scoped3A, %dma_wait3A_71] : memref<32x80x128xi32, #tpu.memory_space<hbm>> -> memref<1x1x128xi32, #tpu.memory_space<hbm>>
      %dma_wait3A_73 = tpu.memref_squeeze %dma_wait3A_72 : memref<1x1x128xi32, #tpu.memory_space<hbm>> -> memref<128xi32, #tpu.memory_space<hbm>>
      tpu.wait_dma2 semaphore(%run_scoped3A_49 : memref<!tpu.dma_semaphore, #tpu.memory_space<semaphore_mem>>) src(%dma_wait3A_73 : memref<128xi32, #tpu.memory_space<hbm>>) dst(%dma_wait3A_70 : memref<128xi32, #tpu.memory_space<vmem>>)
      tpu.yield
    }) : () -> ()
    %run_scoped3A_4 = arith.constant 0 : i32
    %run_scoped3A_5 = arith.constant 0 : i32
    "tpu.region"() ({
      %run_scoped3A_49 = tpu.sem_alloc : memref<!tpu.dma_semaphore, #tpu.memory_space<semaphore_mem>>
      %dma_start3A_50 = arith.constant 0 : i32
      %dma_start3A_51 = tpu.memref_slice %arg8[%run_scoped3A_5, %dma_start3A_50] : memref<4x128xi32, #tpu.memory_space<vmem>> -> memref<1x128xi32, #tpu.memory_space<vmem>>
      %dma_start3A_52 = tpu.memref_squeeze %dma_start3A_51 : memref<1x128xi32, #tpu.memory_space<vmem>> -> memref<128xi32, #tpu.memory_space<vmem>>
      %dma_start3A_53 = arith.constant 0 : i32
      %dma_start3A_54 = tpu.memref_slice %arg4[%add3A, %run_scoped3A_4, %dma_start3A_53] : memref<32x80x128xi32, #tpu.memory_space<hbm>> -> memref<1x1x128xi32, #tpu.memory_space<hbm>>
      %dma_start3A_55 = tpu.memref_squeeze %dma_start3A_54 : memref<1x1x128xi32, #tpu.memory_space<hbm>> -> memref<128xi32, #tpu.memory_space<hbm>>
      %dma_start3A_56 = arith.constant 0 : i32
      %dma_start3A_57 = tpu.memref_slice %arg8[%run_scoped3A_5, %dma_start3A_56] : memref<4x128xi32, #tpu.memory_space<vmem>> -> memref<1x128xi32, #tpu.memory_space<vmem>>
      %dma_start3A_58 = tpu.memref_squeeze %dma_start3A_57 : memref<1x128xi32, #tpu.memory_space<vmem>> -> memref<128xi32, #tpu.memory_space<vmem>>
      %dma_start3A_59 = arith.constant 0 : i32
      %dma_start3A_60 = tpu.memref_slice %arg4[%add3A, %run_scoped3A_4, %dma_start3A_59] : memref<32x80x128xi32, #tpu.memory_space<hbm>> -> memref<1x1x128xi32, #tpu.memory_space<hbm>>
      %dma_start3A_61 = tpu.memref_squeeze %dma_start3A_60 : memref<1x1x128xi32, #tpu.memory_space<hbm>> -> memref<128xi32, #tpu.memory_space<hbm>>
      tpu.enqueue_dma source(%dma_start3A_61 : memref<128xi32, #tpu.memory_space<hbm>>) target(%dma_start3A_58 : memref<128xi32, #tpu.memory_space<vmem>>) target_semaphore(%run_scoped3A_49 : memref<!tpu.dma_semaphore, #tpu.memory_space<semaphore_mem>>)
      %dma_wait3A_62 = arith.constant 0 : i32
      %dma_wait3A_63 = tpu.memref_slice %arg8[%run_scoped3A_5, %dma_wait3A_62] : memref<4x128xi32, #tpu.memory_space<vmem>> -> memref<1x128xi32, #tpu.memory_space<vmem>>
      %dma_wait3A_64 = tpu.memref_squeeze %dma_wait3A_63 : memref<1x128xi32, #tpu.memory_space<vmem>> -> memref<128xi32, #tpu.memory_space<vmem>>
      %dma_wait3A_65 = arith.constant 0 : i32
      %dma_wait3A_66 = tpu.memref_slice %arg4[%add3A, %run_scoped3A_4, %dma_wait3A_65] : memref<32x80x128xi32, #tpu.memory_space<hbm>> -> memref<1x1x128xi32, #tpu.memory_space<hbm>>
      %dma_wait3A_67 = tpu.memref_squeeze %dma_wait3A_66 : memref<1x1x128xi32, #tpu.memory_space<hbm>> -> memref<128xi32, #tpu.memory_space<hbm>>
      %dma_wait3A_68 = arith.constant 0 : i32
      %dma_wait3A_69 = tpu.memref_slice %arg8[%run_scoped3A_5, %dma_wait3A_68] : memref<4x128xi32, #tpu.memory_space<vmem>> -> memref<1x128xi32, #tpu.memory_space<vmem>>
      %dma_wait3A_70 = tpu.memref_squeeze %dma_wait3A_69 : memref<1x128xi32, #tpu.memory_space<vmem>> -> memref<128xi32, #tpu.memory_space<vmem>>
      %dma_wait3A_71 = arith.constant 0 : i32
      %dma_wait3A_72 = tpu.memref_slice %arg4[%add3A, %run_scoped3A_4, %dma_wait3A_71] : memref<32x80x128xi32, #tpu.memory_space<hbm>> -> memref<1x1x128xi32, #tpu.memory_space<hbm>>
      %dma_wait3A_73 = tpu.memref_squeeze %dma_wait3A_72 : memref<1x1x128xi32, #tpu.memory_space<hbm>> -> memref<128xi32, #tpu.memory_space<hbm>>
      tpu.wait_dma2 semaphore(%run_scoped3A_49 : memref<!tpu.dma_semaphore, #tpu.memory_space<semaphore_mem>>) src(%dma_wait3A_73 : memref<128xi32, #tpu.memory_space<hbm>>) dst(%dma_wait3A_70 : memref<128xi32, #tpu.memory_space<vmem>>)
      tpu.yield
    }) : () -> ()
    %dma_start3A = arith.constant 0 : i32
    %dma_start3A_6 = arith.constant 0 : i32
    %dma_start3A_7 = arith.constant 0 : i32
    %dma_start3A_8 = arith.constant 0 : i32
    %dma_start3A_9 = tpu.memref_slice %arg9[%dma_start3A_6, %dma_start3A_7, %dma_start3A_8] : memref<2x128x128xf32, #tpu.memory_space<vmem>> -> memref<1x128x128xf32, #tpu.memory_space<vmem>>
    %dma_start3A_10 = tpu.memref_squeeze %dma_start3A_9 : memref<1x128x128xf32, #tpu.memory_space<vmem>> -> memref<128x128xf32, #tpu.memory_space<vmem>>
    %dma_start3A_11 = arith.constant 0 : i32
    %dma_start3A_12 = tpu.memref_slice %arg7[%dma_start3A, %dma_start3A_11] : memref<2x128xi32, #tpu.memory_space<vmem>> -> memref<1x128xi32, #tpu.memory_space<vmem>>
    %dma_start3A_13 = tpu.memref_squeeze %dma_start3A_12 : memref<1x128xi32, #tpu.memory_space<vmem>> -> memref<128xi32, #tpu.memory_space<vmem>>
    %dma_start3A_14 = arith.constant 0 : i32
    %dma_start3A_15 = arith.constant 0 : i32
    %dma_start3A_16 = tpu.memref_slice %arg2[%dma_start3A_14, %dma_start3A_15] : memref<10000x128xf32, #tpu.memory_space<hbm>> -> memref<10000x128xf32, #tpu.memory_space<hbm>>
    tpu.enqueue_indirect_dma source(%dma_start3A_16 : memref<10000x128xf32, #tpu.memory_space<hbm>>) target(%dma_start3A_10 : memref<128x128xf32, #tpu.memory_space<vmem>>) offsets(%dma_start3A_13 : memref<128xi32, #tpu.memory_space<vmem>>) semaphore(%arg11 : memref<!tpu.dma_semaphore, #tpu.memory_space<semaphore_mem>>)
    %scan3A = arith.constant 0 : i32
    %scan3A_17 = arith.constant 0 : i32
    %scan3A_18 = arith.constant 80 : i32
    %scan3A_19 = arith.addi %scan3A_17, %scan3A_18 : i32
    %scan3A_20 = arith.constant 1 : i32
    scf.for %scan3A_49 = %scan3A_17 to %scan3A_19 step %scan3A_20  : i32 {
      %rem3A_50 = arith.constant 2 : i32
      %rem3A_51 = arith.remsi %scan3A_49, %rem3A_50 : i32
      %add3A_52 = arith.constant 1 : i32
      %add3A_53 = arith.addi %scan3A_49, %add3A_52 : i32
      %rem3A_54 = arith.constant 2 : i32
      %rem3A_55 = arith.remsi %add3A_53, %rem3A_54 : i32
      %add3A_56 = arith.constant 1 : i32
      %add3A_57 = arith.addi %scan3A_49, %add3A_56 : i32
      %min3A = arith.constant 79 : i32
      %min3A_58 = arith.minsi %add3A_57, %min3A : i32
      "tpu.region"() ({
        %run_scoped3A_97 = tpu.sem_alloc : memref<!tpu.dma_semaphore, #tpu.memory_space<semaphore_mem>>
        %dma_start3A_98 = arith.constant 0 : i32
        %dma_start3A_99 = tpu.memref_slice %arg7[%rem3A_55, %dma_start3A_98] : memref<2x128xi32, #tpu.memory_space<vmem>> -> memref<1x128xi32, #tpu.memory_space<vmem>>
        %dma_start3A_100 = tpu.memref_squeeze %dma_start3A_99 : memref<1x128xi32, #tpu.memory_space<vmem>> -> memref<128xi32, #tpu.memory_space<vmem>>
        %dma_start3A_101 = arith.constant 0 : i32
        %dma_start3A_102 = tpu.memref_slice %arg3[%add3A, %min3A_58, %dma_start3A_101] : memref<32x80x128xi32, #tpu.memory_space<hbm>> -> memref<1x1x128xi32, #tpu.memory_space<hbm>>
        %dma_start3A_103 = tpu.memref_squeeze %dma_start3A_102 : memref<1x1x128xi32, #tpu.memory_space<hbm>> -> memref<128xi32, #tpu.memory_space<hbm>>
        %dma_start3A_104 = arith.constant 0 : i32
        %dma_start3A_105 = tpu.memref_slice %arg7[%rem3A_55, %dma_start3A_104] : memref<2x128xi32, #tpu.memory_space<vmem>> -> memref<1x128xi32, #tpu.memory_space<vmem>>
        %dma_start3A_106 = tpu.memref_squeeze %dma_start3A_105 : memref<1x128xi32, #tpu.memory_space<vmem>> -> memref<128xi32, #tpu.memory_space<vmem>>
        %dma_start3A_107 = arith.constant 0 : i32
        %dma_start3A_108 = tpu.memref_slice %arg3[%add3A, %min3A_58, %dma_start3A_107] : memref<32x80x128xi32, #tpu.memory_space<hbm>> -> memref<1x1x128xi32, #tpu.memory_space<hbm>>
        %dma_start3A_109 = tpu.memref_squeeze %dma_start3A_108 : memref<1x1x128xi32, #tpu.memory_space<hbm>> -> memref<128xi32, #tpu.memory_space<hbm>>
        tpu.enqueue_dma source(%dma_start3A_109 : memref<128xi32, #tpu.memory_space<hbm>>) target(%dma_start3A_106 : memref<128xi32, #tpu.memory_space<vmem>>) target_semaphore(%run_scoped3A_97 : memref<!tpu.dma_semaphore, #tpu.memory_space<semaphore_mem>>)
        %dma_wait3A_110 = arith.constant 0 : i32
        %dma_wait3A_111 = tpu.memref_slice %arg7[%rem3A_55, %dma_wait3A_110] : memref<2x128xi32, #tpu.memory_space<vmem>> -> memref<1x128xi32, #tpu.memory_space<vmem>>
        %dma_wait3A_112 = tpu.memref_squeeze %dma_wait3A_111 : memref<1x128xi32, #tpu.memory_space<vmem>> -> memref<128xi32, #tpu.memory_space<vmem>>
        %dma_wait3A_113 = arith.constant 0 : i32
        %dma_wait3A_114 = tpu.memref_slice %arg3[%add3A, %min3A_58, %dma_wait3A_113] : memref<32x80x128xi32, #tpu.memory_space<hbm>> -> memref<1x1x128xi32, #tpu.memory_space<hbm>>
        %dma_wait3A_115 = tpu.memref_squeeze %dma_wait3A_114 : memref<1x1x128xi32, #tpu.memory_space<hbm>> -> memref<128xi32, #tpu.memory_space<hbm>>
        %dma_wait3A_116 = arith.constant 0 : i32
        %dma_wait3A_117 = tpu.memref_slice %arg7[%rem3A_55, %dma_wait3A_116] : memref<2x128xi32, #tpu.memory_space<vmem>> -> memref<1x128xi32, #tpu.memory_space<vmem>>
        %dma_wait3A_118 = tpu.memref_squeeze %dma_wait3A_117 : memref<1x128xi32, #tpu.memory_space<vmem>> -> memref<128xi32, #tpu.memory_space<vmem>>
        %dma_wait3A_119 = arith.constant 0 : i32
        %dma_wait3A_120 = tpu.memref_slice %arg3[%add3A, %min3A_58, %dma_wait3A_119] : memref<32x80x128xi32, #tpu.memory_space<hbm>> -> memref<1x1x128xi32, #tpu.memory_space<hbm>>
        %dma_wait3A_121 = tpu.memref_squeeze %dma_wait3A_120 : memref<1x1x128xi32, #tpu.memory_space<hbm>> -> memref<128xi32, #tpu.memory_space<hbm>>
        tpu.wait_dma2 semaphore(%run_scoped3A_97 : memref<!tpu.dma_semaphore, #tpu.memory_space<semaphore_mem>>) src(%dma_wait3A_121 : memref<128xi32, #tpu.memory_space<hbm>>) dst(%dma_wait3A_118 : memref<128xi32, #tpu.memory_space<vmem>>)
        tpu.yield
      }) : () -> ()
      %add3A_59 = arith.constant 1 : i32
      %add3A_60 = arith.addi %scan3A_49, %add3A_59 : i32
      %rem3A_61 = arith.constant 4 : i32
      %rem3A_62 = arith.remsi %add3A_60, %rem3A_61 : i32
      "tpu.region"() ({
        %run_scoped3A_97 = tpu.sem_alloc : memref<!tpu.dma_semaphore, #tpu.memory_space<semaphore_mem>>
        %dma_start3A_98 = arith.constant 0 : i32
        %dma_start3A_99 = tpu.memref_slice %arg8[%rem3A_62, %dma_start3A_98] : memref<4x128xi32, #tpu.memory_space<vmem>> -> memref<1x128xi32, #tpu.memory_space<vmem>>
        %dma_start3A_100 = tpu.memref_squeeze %dma_start3A_99 : memref<1x128xi32, #tpu.memory_space<vmem>> -> memref<128xi32, #tpu.memory_space<vmem>>
        %dma_start3A_101 = arith.constant 0 : i32
        %dma_start3A_102 = tpu.memref_slice %arg4[%add3A, %min3A_58, %dma_start3A_101] : memref<32x80x128xi32, #tpu.memory_space<hbm>> -> memref<1x1x128xi32, #tpu.memory_space<hbm>>
        %dma_start3A_103 = tpu.memref_squeeze %dma_start3A_102 : memref<1x1x128xi32, #tpu.memory_space<hbm>> -> memref<128xi32, #tpu.memory_space<hbm>>
        %dma_start3A_104 = arith.constant 0 : i32
        %dma_start3A_105 = tpu.memref_slice %arg8[%rem3A_62, %dma_start3A_104] : memref<4x128xi32, #tpu.memory_space<vmem>> -> memref<1x128xi32, #tpu.memory_space<vmem>>
        %dma_start3A_106 = tpu.memref_squeeze %dma_start3A_105 : memref<1x128xi32, #tpu.memory_space<vmem>> -> memref<128xi32, #tpu.memory_space<vmem>>
        %dma_start3A_107 = arith.constant 0 : i32
        %dma_start3A_108 = tpu.memref_slice %arg4[%add3A, %min3A_58, %dma_start3A_107] : memref<32x80x128xi32, #tpu.memory_space<hbm>> -> memref<1x1x128xi32, #tpu.memory_space<hbm>>
        %dma_start3A_109 = tpu.memref_squeeze %dma_start3A_108 : memref<1x1x128xi32, #tpu.memory_space<hbm>> -> memref<128xi32, #tpu.memory_space<hbm>>
        tpu.enqueue_dma source(%dma_start3A_109 : memref<128xi32, #tpu.memory_space<hbm>>) target(%dma_start3A_106 : memref<128xi32, #tpu.memory_space<vmem>>) target_semaphore(%run_scoped3A_97 : memref<!tpu.dma_semaphore, #tpu.memory_space<semaphore_mem>>)
        %dma_wait3A_110 = arith.constant 0 : i32
        %dma_wait3A_111 = tpu.memref_slice %arg8[%rem3A_62, %dma_wait3A_110] : memref<4x128xi32, #tpu.memory_space<vmem>> -> memref<1x128xi32, #tpu.memory_space<vmem>>
        %dma_wait3A_112 = tpu.memref_squeeze %dma_wait3A_111 : memref<1x128xi32, #tpu.memory_space<vmem>> -> memref<128xi32, #tpu.memory_space<vmem>>
        %dma_wait3A_113 = arith.constant 0 : i32
        %dma_wait3A_114 = tpu.memref_slice %arg4[%add3A, %min3A_58, %dma_wait3A_113] : memref<32x80x128xi32, #tpu.memory_space<hbm>> -> memref<1x1x128xi32, #tpu.memory_space<hbm>>
        %dma_wait3A_115 = tpu.memref_squeeze %dma_wait3A_114 : memref<1x1x128xi32, #tpu.memory_space<hbm>> -> memref<128xi32, #tpu.memory_space<hbm>>
        %dma_wait3A_116 = arith.constant 0 : i32
        %dma_wait3A_117 = tpu.memref_slice %arg8[%rem3A_62, %dma_wait3A_116] : memref<4x128xi32, #tpu.memory_space<vmem>> -> memref<1x128xi32, #tpu.memory_space<vmem>>
        %dma_wait3A_118 = tpu.memref_squeeze %dma_wait3A_117 : memref<1x128xi32, #tpu.memory_space<vmem>> -> memref<128xi32, #tpu.memory_space<vmem>>
        %dma_wait3A_119 = arith.constant 0 : i32
        %dma_wait3A_120 = tpu.memref_slice %arg4[%add3A, %min3A_58, %dma_wait3A_119] : memref<32x80x128xi32, #tpu.memory_space<hbm>> -> memref<1x1x128xi32, #tpu.memory_space<hbm>>
        %dma_wait3A_121 = tpu.memref_squeeze %dma_wait3A_120 : memref<1x1x128xi32, #tpu.memory_space<hbm>> -> memref<128xi32, #tpu.memory_space<hbm>>
        tpu.wait_dma2 semaphore(%run_scoped3A_97 : memref<!tpu.dma_semaphore, #tpu.memory_space<semaphore_mem>>) src(%dma_wait3A_121 : memref<128xi32, #tpu.memory_space<hbm>>) dst(%dma_wait3A_118 : memref<128xi32, #tpu.memory_space<vmem>>)
        tpu.yield
      }) : () -> ()
      %dma_wait3A_63 = arith.constant 0 : i32
      %dma_wait3A_64 = arith.constant 0 : i32
      %dma_wait3A_65 = tpu.memref_slice %arg9[%rem3A_51, %dma_wait3A_63, %dma_wait3A_64] : memref<2x128x128xf32, #tpu.memory_space<vmem>> -> memref<1x128x128xf32, #tpu.memory_space<vmem>>
      %dma_wait3A_66 = tpu.memref_squeeze %dma_wait3A_65 : memref<1x128x128xf32, #tpu.memory_space<vmem>> -> memref<128x128xf32, #tpu.memory_space<vmem>>
      %dma_wait3A_67 = arith.constant 0 : i32
      %dma_wait3A_68 = tpu.memref_slice %arg7[%rem3A_51, %dma_wait3A_67] : memref<2x128xi32, #tpu.memory_space<vmem>> -> memref<1x128xi32, #tpu.memory_space<vmem>>
      %dma_wait3A_69 = tpu.memref_squeeze %dma_wait3A_68 : memref<1x128xi32, #tpu.memory_space<vmem>> -> memref<128xi32, #tpu.memory_space<vmem>>
      %dma_wait3A_70 = arith.constant 0 : i32
      %dma_wait3A_71 = arith.constant 0 : i32
      %dma_wait3A_72 = tpu.memref_slice %arg2[%dma_wait3A_70, %dma_wait3A_71] : memref<10000x128xf32, #tpu.memory_space<hbm>> -> memref<10000x128xf32, #tpu.memory_space<hbm>>
      tpu.wait_indirect_dma semaphore(%arg11 : memref<!tpu.dma_semaphore, #tpu.memory_space<semaphore_mem>>) src(%dma_wait3A_72 : memref<10000x128xf32, #tpu.memory_space<hbm>>) dst(%dma_wait3A_66 : memref<128x128xf32, #tpu.memory_space<vmem>>)
      %ge3A = arith.constant 1 : i32
      %ge3A_73 = arith.cmpi sge, %scan3A_49, %ge3A : i32
      %convert_element_type3A = arith.extui %ge3A_73 : i1 to i32
      %cond3A = arith.constant 0 : i32
      %cond3A_74 = arith.cmpi ne, %convert_element_type3A, %cond3A : i32
      scf.if %cond3A_74 {
        %add3A_97 = arith.constant 3 : i32
        %add3A_98 = arith.addi %scan3A_49, %add3A_97 : i32
        %rem3A_99 = arith.constant 4 : i32
        %rem3A_100 = arith.remsi %add3A_98, %rem3A_99 : i32
        %dma_wait3A_101 = arith.constant 0 : i32
        %dma_wait3A_102 = arith.constant 0 : i32
        %dma_wait3A_103 = tpu.memref_slice %arg9[%rem3A_55, %dma_wait3A_101, %dma_wait3A_102] : memref<2x128x128xf32, #tpu.memory_space<vmem>> -> memref<1x128x128xf32, #tpu.memory_space<vmem>>
        %dma_wait3A_104 = tpu.memref_squeeze %dma_wait3A_103 : memref<1x128x128xf32, #tpu.memory_space<vmem>> -> memref<128x128xf32, #tpu.memory_space<vmem>>
        %dma_wait3A_105 = arith.constant 0 : i32
        %dma_wait3A_106 = tpu.memref_slice %arg8[%rem3A_100, %dma_wait3A_105] : memref<4x128xi32, #tpu.memory_space<vmem>> -> memref<1x128xi32, #tpu.memory_space<vmem>>
        %dma_wait3A_107 = tpu.memref_squeeze %dma_wait3A_106 : memref<1x128xi32, #tpu.memory_space<vmem>> -> memref<128xi32, #tpu.memory_space<vmem>>
        %dma_wait3A_108 = arith.constant 0 : i32
        %dma_wait3A_109 = arith.constant 0 : i32
        %dma_wait3A_110 = tpu.memref_slice %arg10[%dma_wait3A_108, %dma_wait3A_109] : memref<10240x128xf32, #tpu.memory_space<vmem_shared>> -> memref<10240x128xf32, #tpu.memory_space<vmem_shared>>
        tpu.wait_indirect_dma semaphore(%arg12 : memref<!tpu.dma_semaphore, #tpu.memory_space<semaphore_mem>>) src(%dma_wait3A_104 : memref<128x128xf32, #tpu.memory_space<vmem>>) dst(%dma_wait3A_110 : memref<10240x128xf32, #tpu.memory_space<vmem_shared>>)
      } else {
      }
      %dma_start3A_75 = arith.constant 0 : i32
      %dma_start3A_76 = arith.constant 0 : i32
      %dma_start3A_77 = tpu.memref_slice %arg9[%rem3A_55, %dma_start3A_75, %dma_start3A_76] : memref<2x128x128xf32, #tpu.memory_space<vmem>> -> memref<1x128x128xf32, #tpu.memory_space<vmem>>
      %dma_start3A_78 = tpu.memref_squeeze %dma_start3A_77 : memref<1x128x128xf32, #tpu.memory_space<vmem>> -> memref<128x128xf32, #tpu.memory_space<vmem>>
      %dma_start3A_79 = arith.constant 0 : i32
      %dma_start3A_80 = tpu.memref_slice %arg7[%rem3A_55, %dma_start3A_79] : memref<2x128xi32, #tpu.memory_space<vmem>> -> memref<1x128xi32, #tpu.memory_space<vmem>>
      %dma_start3A_81 = tpu.memref_squeeze %dma_start3A_80 : memref<1x128xi32, #tpu.memory_space<vmem>> -> memref<128xi32, #tpu.memory_space<vmem>>
      %dma_start3A_82 = arith.constant 0 : i32
      %dma_start3A_83 = arith.constant 0 : i32
      %dma_start3A_84 = tpu.memref_slice %arg2[%dma_start3A_82, %dma_start3A_83] : memref<10000x128xf32, #tpu.memory_space<hbm>> -> memref<10000x128xf32, #tpu.memory_space<hbm>>
      tpu.enqueue_indirect_dma source(%dma_start3A_84 : memref<10000x128xf32, #tpu.memory_space<hbm>>) target(%dma_start3A_78 : memref<128x128xf32, #tpu.memory_space<vmem>>) offsets(%dma_start3A_81 : memref<128xi32, #tpu.memory_space<vmem>>) semaphore(%arg11 : memref<!tpu.dma_semaphore, #tpu.memory_space<semaphore_mem>>)
      %rem3A_85 = arith.constant 4 : i32
      %rem3A_86 = arith.remsi %scan3A_49, %rem3A_85 : i32
      %dma_start3A_87 = arith.constant 0 : i32
      %dma_start3A_88 = arith.constant 0 : i32
      %dma_start3A_89 = tpu.memref_slice %arg9[%rem3A_51, %dma_start3A_87, %dma_start3A_88] : memref<2x128x128xf32, #tpu.memory_space<vmem>> -> memref<1x128x128xf32, #tpu.memory_space<vmem>>
      %dma_start3A_90 = tpu.memref_squeeze %dma_start3A_89 : memref<1x128x128xf32, #tpu.memory_space<vmem>> -> memref<128x128xf32, #tpu.memory_space<vmem>>
      %dma_start3A_91 = arith.constant 0 : i32
      %dma_start3A_92 = tpu.memref_slice %arg8[%rem3A_86, %dma_start3A_91] : memref<4x128xi32, #tpu.memory_space<vmem>> -> memref<1x128xi32, #tpu.memory_space<vmem>>
      %dma_start3A_93 = tpu.memref_squeeze %dma_start3A_92 : memref<1x128xi32, #tpu.memory_space<vmem>> -> memref<128xi32, #tpu.memory_space<vmem>>
      %dma_start3A_94 = arith.constant 0 : i32
      %dma_start3A_95 = arith.constant 0 : i32
      %dma_start3A_96 = tpu.memref_slice %arg10[%dma_start3A_94, %dma_start3A_95] : memref<10240x128xf32, #tpu.memory_space<vmem_shared>> -> memref<10240x128xf32, #tpu.memory_space<vmem_shared>>
      tpu.enqueue_indirect_dma source(%dma_start3A_90 : memref<128x128xf32, #tpu.memory_space<vmem>>) target(%dma_start3A_96 : memref<10240x128xf32, #tpu.memory_space<vmem_shared>>) offsets(%dma_start3A_93 : memref<128xi32, #tpu.memory_space<vmem>>) semaphore(%arg12 : memref<!tpu.dma_semaphore, #tpu.memory_space<semaphore_mem>>) {add = true}
    }
    %scan3A_21 = arith.constant 80 : i32
    %rem3A = arith.constant 79 : i32
    %rem3A_22 = arith.constant 2 : i32
    %rem3A_23 = arith.remsi %rem3A, %rem3A_22 : i32
    %rem3A_24 = arith.constant 79 : i32
    %rem3A_25 = arith.constant 4 : i32
    %rem3A_26 = arith.remsi %rem3A_24, %rem3A_25 : i32
    %dma_wait3A = arith.constant 0 : i32
    %dma_wait3A_27 = arith.constant 0 : i32
    %dma_wait3A_28 = tpu.memref_slice %arg9[%rem3A_23, %dma_wait3A, %dma_wait3A_27] : memref<2x128x128xf32, #tpu.memory_space<vmem>> -> memref<1x128x128xf32, #tpu.memory_space<vmem>>
    %dma_wait3A_29 = tpu.memref_squeeze %dma_wait3A_28 : memref<1x128x128xf32, #tpu.memory_space<vmem>> -> memref<128x128xf32, #tpu.memory_space<vmem>>
    %dma_wait3A_30 = arith.constant 0 : i32
    %dma_wait3A_31 = tpu.memref_slice %arg8[%rem3A_26, %dma_wait3A_30] : memref<4x128xi32, #tpu.memory_space<vmem>> -> memref<1x128xi32, #tpu.memory_space<vmem>>
    %dma_wait3A_32 = tpu.memref_squeeze %dma_wait3A_31 : memref<1x128xi32, #tpu.memory_space<vmem>> -> memref<128xi32, #tpu.memory_space<vmem>>
    %dma_wait3A_33 = arith.constant 0 : i32
    %dma_wait3A_34 = arith.constant 0 : i32
    %dma_wait3A_35 = tpu.memref_slice %arg10[%dma_wait3A_33, %dma_wait3A_34] : memref<10240x128xf32, #tpu.memory_space<vmem_shared>> -> memref<10240x128xf32, #tpu.memory_space<vmem_shared>>
    tpu.wait_indirect_dma semaphore(%arg12 : memref<!tpu.dma_semaphore, #tpu.memory_space<semaphore_mem>>) src(%dma_wait3A_29 : memref<128x128xf32, #tpu.memory_space<vmem>>) dst(%dma_wait3A_35 : memref<10240x128xf32, #tpu.memory_space<vmem_shared>>)
    %dma_wait3A_36 = arith.constant 0 : i32
    %dma_wait3A_37 = arith.constant 0 : i32
    %dma_wait3A_38 = arith.constant 0 : i32
    %dma_wait3A_39 = arith.constant 0 : i32
    %dma_wait3A_40 = tpu.memref_slice %arg9[%dma_wait3A_37, %dma_wait3A_38, %dma_wait3A_39] : memref<2x128x128xf32, #tpu.memory_space<vmem>> -> memref<1x128x128xf32, #tpu.memory_space<vmem>>
    %dma_wait3A_41 = tpu.memref_squeeze %dma_wait3A_40 : memref<1x128x128xf32, #tpu.memory_space<vmem>> -> memref<128x128xf32, #tpu.memory_space<vmem>>
    %dma_wait3A_42 = arith.constant 0 : i32
    %dma_wait3A_43 = tpu.memref_slice %arg7[%dma_wait3A_36, %dma_wait3A_42] : memref<2x128xi32, #tpu.memory_space<vmem>> -> memref<1x128xi32, #tpu.memory_space<vmem>>
    %dma_wait3A_44 = tpu.memref_squeeze %dma_wait3A_43 : memref<1x128xi32, #tpu.memory_space<vmem>> -> memref<128xi32, #tpu.memory_space<vmem>>
    %dma_wait3A_45 = arith.constant 0 : i32
    %dma_wait3A_46 = arith.constant 0 : i32
    %dma_wait3A_47 = tpu.memref_slice %arg2[%dma_wait3A_45, %dma_wait3A_46] : memref<10000x128xf32, #tpu.memory_space<hbm>> -> memref<10000x128xf32, #tpu.memory_space<hbm>>
    tpu.wait_indirect_dma semaphore(%arg11 : memref<!tpu.dma_semaphore, #tpu.memory_space<semaphore_mem>>) src(%dma_wait3A_47 : memref<10000x128xf32, #tpu.memory_space<hbm>>) dst(%dma_wait3A_41 : memref<128x128xf32, #tpu.memory_space<vmem>>)
    %barrier3A_48 = arith.constant 0 : index
    tpu.barrier barrier_id(%barrier3A_48)
    "tpu.region"() ({
      %run_scoped3A_49 = tpu.sem_alloc : memref<!tpu.dma_semaphore, #tpu.memory_space<semaphore_mem>>
      %dma_start3A_50 = arith.constant 0 : i32
      %dma_start3A_51 = tpu.memref_slice %arg6[%arg0, %mul3A_2, %dma_start3A_50] : memref<2x10240x128xf32, #tpu.memory_space<hbm>> -> memref<1x640x128xf32, #tpu.memory_space<hbm>>
      %dma_start3A_52 = tpu.memref_squeeze %dma_start3A_51 : memref<1x640x128xf32, #tpu.memory_space<hbm>> -> memref<640x128xf32, #tpu.memory_space<hbm>>
      %dma_start3A_53 = arith.constant 0 : i32
      %dma_start3A_54 = tpu.memref_slice %arg10[%mul3A_2, %dma_start3A_53] : memref<10240x128xf32, #tpu.memory_space<vmem_shared>> -> memref<640x128xf32, #tpu.memory_space<vmem_shared>>
      tpu.enqueue_dma source(%dma_start3A_54 : memref<640x128xf32, #tpu.memory_space<vmem_shared>>) target(%dma_start3A_52 : memref<640x128xf32, #tpu.memory_space<hbm>>) target_semaphore(%run_scoped3A_49 : memref<!tpu.dma_semaphore, #tpu.memory_space<semaphore_mem>>)
      %dma_wait3A_55 = arith.constant 0 : i32
      %dma_wait3A_56 = tpu.memref_slice %arg6[%arg0, %mul3A_2, %dma_wait3A_55] : memref<2x10240x128xf32, #tpu.memory_space<hbm>> -> memref<1x640x128xf32, #tpu.memory_space<hbm>>
      %dma_wait3A_57 = tpu.memref_squeeze %dma_wait3A_56 : memref<1x640x128xf32, #tpu.memory_space<hbm>> -> memref<640x128xf32, #tpu.memory_space<hbm>>
      %dma_wait3A_58 = arith.constant 0 : i32
      %dma_wait3A_59 = tpu.memref_slice %arg10[%mul3A_2, %dma_wait3A_58] : memref<10240x128xf32, #tpu.memory_space<vmem_shared>> -> memref<640x128xf32, #tpu.memory_space<vmem_shared>>
      tpu.wait_dma2 semaphore(%run_scoped3A_49 : memref<!tpu.dma_semaphore, #tpu.memory_space<semaphore_mem>>) src(%dma_wait3A_59 : memref<640x128xf32, #tpu.memory_space<vmem_shared>>) dst(%dma_wait3A_57 : memref<640x128xf32, #tpu.memory_space<hbm>>)
      tpu.yield
    }) : () -> ()
    return
  }
}

module attributes {stable_mosaic.version = 14 : i64} {
  func.func @_tc_body(%arg0: i32, %arg1: memref<1000x128xf32, #tpu.memory_space<vmem>>, %arg2: memref<2x1000x128xf32, #tpu.memory_space<vmem>>, %arg3: memref<2x1000x128xf32, #tpu.memory_space<vmem>>, %arg4: memref<128x128xf32, #tpu.memory_space<vmem>>, %arg5: memref<128x128xf32, #tpu.memory_space<vmem>>, %arg6: memref<1x128xf32, #tpu.memory_space<vmem>>, %arg7: memref<1000x128xf32, #tpu.memory_space<vmem>>) attributes {dimension_semantics = [#tpu.dimension_semantics<arbitrary>], iteration_bounds = array<i64: 10>, scalar_prefetch = 0 : i64, scratch_operands = 0 : i64, tpu.core_type = #tpu.core_type<tc>, window_params = [{transform_indices = @transform_0, window_bounds = array<i64: 1000, 128>}, {transform_indices = @transform_1, window_bounds = array<i64: 2, 1000, 128>}, {transform_indices = @transform_2, window_bounds = array<i64: 2, 1000, 128>}, {pipeline_mode = #tpu.pipeline_mode<synchronous>, transform_indices = @transform_3, window_bounds = array<i64: 128, 128>}, {pipeline_mode = #tpu.pipeline_mode<synchronous>, transform_indices = @transform_4, window_bounds = array<i64: 128, 128>}, {pipeline_mode = #tpu.pipeline_mode<synchronous>, transform_indices = @transform_5, window_bounds = array<i64: 1, 128>}, {transform_indices = @transform_6, window_bounds = array<i64: 1000, 128>}]} {
    %get3A = arith.constant 0 : index
    %get3A_0 = arith.constant 0 : index
    %get3A_1 = arith.constant 0 : index
    %get3A_2 = vector.load %arg2[%get3A, %get3A_0, %get3A_1] : memref<2x1000x128xf32, #tpu.memory_space<vmem>>, vector<1x1000x128xf32>
    %get3A_3 = vector.shape_cast %get3A_2 : vector<1x1000x128xf32> to vector<1000x128xf32>
    %get3A_4 = arith.constant 1 : index
    %get3A_5 = arith.constant 0 : index
    %get3A_6 = arith.constant 0 : index
    %get3A_7 = vector.load %arg2[%get3A_4, %get3A_5, %get3A_6] : memref<2x1000x128xf32, #tpu.memory_space<vmem>>, vector<1x1000x128xf32>
    %get3A_8 = vector.shape_cast %get3A_7 : vector<1x1000x128xf32> to vector<1000x128xf32>
    %add3A = arith.addf %get3A_3, %get3A_8 : vector<1000x128xf32>
    %get3A_9 = arith.constant 0 : index
    %get3A_10 = arith.constant 0 : index
    %get3A_11 = arith.constant 0 : index
    %get3A_12 = vector.load %arg3[%get3A_9, %get3A_10, %get3A_11] : memref<2x1000x128xf32, #tpu.memory_space<vmem>>, vector<1x1000x1xf32>
    %get3A_13 = vector.shape_cast %get3A_12 : vector<1x1000x1xf32> to vector<1000x1xf32>
    %get3A_14 = arith.constant 1 : index
    %get3A_15 = arith.constant 0 : index
    %get3A_16 = arith.constant 0 : index
    %get3A_17 = vector.load %arg3[%get3A_14, %get3A_15, %get3A_16] : memref<2x1000x128xf32, #tpu.memory_space<vmem>>, vector<1x1000x1xf32>
    %get3A_18 = vector.shape_cast %get3A_17 : vector<1x1000x1xf32> to vector<1000x1xf32>
    %add3A_19 = arith.addf %get3A_13, %get3A_18 : vector<1000x1xf32>
    %max3A = arith.constant 1.000000e+00 : f32
    %max3A_20 = vector.broadcast %max3A : f32 to vector<1000x1xf32>
    %max3A_21 = arith.maximumf %add3A_19, %max3A_20 : vector<1000x1xf32>
    %div3A = vector.broadcast %max3A_21 : vector<1000x1xf32> to vector<1000x128xf32>
    %div3A_22 = arith.divf %add3A, %div3A : vector<1000x128xf32>
    %get3A_23 = arith.constant 0 : index
    %get3A_24 = arith.constant 0 : index
    %get3A_25 = vector.load %arg4[%get3A_23, %get3A_24] : memref<128x128xf32, #tpu.memory_space<vmem>>, vector<128x128xf32>
    %dot_general3A = arith.constant dense<0.000000e+00> : vector<1000x128xf32>
    %dot_general3A_26 = tpu.matmul %div3A_22, %get3A_25, %dot_general3A {dimension_numbers = #tpu.dot_dimension_numbers<[1], [0], [0], [1], [0, 0, 1, 1], [], []>, transpose_lhs_hint = false} : vector<1000x128xf32>, vector<128x128xf32>, vector<1000x128xf32> -> vector<1000x128xf32>
    %get3A_27 = arith.constant 0 : index
    %get3A_28 = arith.constant 0 : index
    %get3A_29 = vector.load %arg1[%get3A_27, %get3A_28] : memref<1000x128xf32, #tpu.memory_space<vmem>>, vector<1000x128xf32>
    %get3A_30 = arith.constant 0 : index
    %get3A_31 = arith.constant 0 : index
    %get3A_32 = vector.load %arg5[%get3A_30, %get3A_31] : memref<128x128xf32, #tpu.memory_space<vmem>>, vector<128x128xf32>
    %dot_general3A_33 = arith.constant dense<0.000000e+00> : vector<1000x128xf32>
    %dot_general3A_34 = tpu.matmul %get3A_29, %get3A_32, %dot_general3A_33 {dimension_numbers = #tpu.dot_dimension_numbers<[1], [0], [0], [1], [0, 0, 1, 1], [], []>, transpose_lhs_hint = false} : vector<1000x128xf32>, vector<128x128xf32>, vector<1000x128xf32> -> vector<1000x128xf32>
    %add3A_35 = arith.addf %dot_general3A_26, %dot_general3A_34 : vector<1000x128xf32>
    %get3A_36 = arith.constant 0 : index
    %get3A_37 = arith.constant 0 : index
    %get3A_38 = vector.load %arg6[%get3A_36, %get3A_37] : memref<1x128xf32, #tpu.memory_space<vmem>>, vector<1x128xf32>
    %add3A_39 = vector.broadcast %get3A_38 : vector<1x128xf32> to vector<1000x128xf32>
    %add3A_40 = arith.addf %add3A_35, %add3A_39 : vector<1000x128xf32>
    %max3A_41 = arith.constant 0.000000e+00 : f32
    %max3A_42 = vector.broadcast %max3A_41 : f32 to vector<1000x128xf32>
    %max3A_43 = arith.maximumf %add3A_40, %max3A_42 : vector<1000x128xf32>
    %swap3A = arith.constant 0 : index
    %swap3A_44 = arith.constant 0 : index
    %swap3A_45 = vector.load %arg7[%swap3A, %swap3A_44] : memref<1000x128xf32, #tpu.memory_space<vmem>>, vector<1000x128xf32>
    tpu.vector_store %arg7[%swap3A, %swap3A_44], %max3A_43 {strides = array<i32>} : memref<1000x128xf32, #tpu.memory_space<vmem>>, vector<1000x128xf32>,
    return
  }
  func.func @transform_0(%arg0: i32) -> (i32, i32) {
    %c0_i32 = arith.constant 0 : i32
    %c0_i32_0 = arith.constant 0 : i32
    return %arg0, %c0_i32 : i32, i32
  }
  func.func @transform_1(%arg0: i32) -> (i32, i32, i32) {
    %c0_i32 = arith.constant 0 : i32
    %c0_i32_0 = arith.constant 0 : i32
    %c0_i32_1 = arith.constant 0 : i32
    return %c0_i32, %arg0, %c0_i32_0 : i32, i32, i32
  }
  func.func @transform_2(%arg0: i32) -> (i32, i32, i32) {
    %c0_i32 = arith.constant 0 : i32
    %c0_i32_0 = arith.constant 0 : i32
    %c0_i32_1 = arith.constant 0 : i32
    return %c0_i32, %arg0, %c0_i32_0 : i32, i32, i32
  }
  func.func @transform_3(%arg0: i32) -> (i32, i32) {
    %c0_i32 = arith.constant 0 : i32
    %c0_i32_0 = arith.constant 0 : i32
    %c0_i32_1 = arith.constant 0 : i32
    return %c0_i32, %c0_i32_0 : i32, i32
  }
  func.func @transform_4(%arg0: i32) -> (i32, i32) {
    %c0_i32 = arith.constant 0 : i32
    %c0_i32_0 = arith.constant 0 : i32
    %c0_i32_1 = arith.constant 0 : i32
    return %c0_i32, %c0_i32_0 : i32, i32
  }
  func.func @transform_5(%arg0: i32) -> (i32, i32) {
    %c0_i32 = arith.constant 0 : i32
    %c0_i32_0 = arith.constant 0 : i32
    %c0_i32_1 = arith.constant 0 : i32
    return %c0_i32, %c0_i32_0 : i32, i32
  }
  func.func @transform_6(%arg0: i32) -> (i32, i32) {
    %c0_i32 = arith.constant 0 : i32
    %c0_i32_0 = arith.constant 0 : i32
    return %arg0, %c0_i32 : i32, i32
  }
}

module attributes {stable_mosaic.version = 14 : i64} {
  func.func @_tc_body(%arg0: i32, %arg1: memref<1000x128xf32, #tpu.memory_space<vmem>>, %arg2: memref<2x1000x128xf32, #tpu.memory_space<vmem>>, %arg3: memref<2x1000x128xf32, #tpu.memory_space<vmem>>, %arg4: memref<128x128xf32, #tpu.memory_space<vmem>>, %arg5: memref<128x128xf32, #tpu.memory_space<vmem>>, %arg6: memref<1x128xf32, #tpu.memory_space<vmem>>, %arg7: memref<1000x128xf32, #tpu.memory_space<vmem>>) attributes {dimension_semantics = [#tpu.dimension_semantics<arbitrary>], iteration_bounds = array<i64: 10>, scalar_prefetch = 0 : i64, scratch_operands = 0 : i64, tpu.core_type = #tpu.core_type<tc>, window_params = [{transform_indices = @transform_0, window_bounds = array<i64: 1000, 128>}, {transform_indices = @transform_1, window_bounds = array<i64: 2, 1000, 128>}, {transform_indices = @transform_2, window_bounds = array<i64: 2, 1000, 128>}, {pipeline_mode = #tpu.pipeline_mode<synchronous>, transform_indices = @transform_3, window_bounds = array<i64: 128, 128>}, {pipeline_mode = #tpu.pipeline_mode<synchronous>, transform_indices = @transform_4, window_bounds = array<i64: 128, 128>}, {pipeline_mode = #tpu.pipeline_mode<synchronous>, transform_indices = @transform_5, window_bounds = array<i64: 1, 128>}, {transform_indices = @transform_6, window_bounds = array<i64: 1000, 128>}]} {
    %get3A = arith.constant 0 : index
    %get3A_0 = arith.constant 0 : index
    %get3A_1 = arith.constant 0 : index
    %get3A_2 = vector.load %arg2[%get3A, %get3A_0, %get3A_1] : memref<2x1000x128xf32, #tpu.memory_space<vmem>>, vector<1x1000x128xf32>
    %get3A_3 = vector.shape_cast %get3A_2 : vector<1x1000x128xf32> to vector<1000x128xf32>
    %get3A_4 = arith.constant 1 : index
    %get3A_5 = arith.constant 0 : index
    %get3A_6 = arith.constant 0 : index
    %get3A_7 = vector.load %arg2[%get3A_4, %get3A_5, %get3A_6] : memref<2x1000x128xf32, #tpu.memory_space<vmem>>, vector<1x1000x128xf32>
    %get3A_8 = vector.shape_cast %get3A_7 : vector<1x1000x128xf32> to vector<1000x128xf32>
    %add3A = arith.addf %get3A_3, %get3A_8 : vector<1000x128xf32>
    %get3A_9 = arith.constant 0 : index
    %get3A_10 = arith.constant 0 : index
    %get3A_11 = arith.constant 0 : index
    %get3A_12 = vector.load %arg3[%get3A_9, %get3A_10, %get3A_11] : memref<2x1000x128xf32, #tpu.memory_space<vmem>>, vector<1x1000x1xf32>
    %get3A_13 = vector.shape_cast %get3A_12 : vector<1x1000x1xf32> to vector<1000x1xf32>
    %get3A_14 = arith.constant 1 : index
    %get3A_15 = arith.constant 0 : index
    %get3A_16 = arith.constant 0 : index
    %get3A_17 = vector.load %arg3[%get3A_14, %get3A_15, %get3A_16] : memref<2x1000x128xf32, #tpu.memory_space<vmem>>, vector<1x1000x1xf32>
    %get3A_18 = vector.shape_cast %get3A_17 : vector<1x1000x1xf32> to vector<1000x1xf32>
    %add3A_19 = arith.addf %get3A_13, %get3A_18 : vector<1000x1xf32>
    %max3A = arith.constant 1.000000e+00 : f32
    %max3A_20 = vector.broadcast %max3A : f32 to vector<1000x1xf32>
    %max3A_21 = arith.maximumf %add3A_19, %max3A_20 : vector<1000x1xf32>
    %div3A = vector.broadcast %max3A_21 : vector<1000x1xf32> to vector<1000x128xf32>
    %div3A_22 = arith.divf %add3A, %div3A : vector<1000x128xf32>
    %get3A_23 = arith.constant 0 : index
    %get3A_24 = arith.constant 0 : index
    %get3A_25 = vector.load %arg4[%get3A_23, %get3A_24] : memref<128x128xf32, #tpu.memory_space<vmem>>, vector<128x128xf32>
    %dot_general3A = arith.constant dense<0.000000e+00> : vector<1000x128xf32>
    %dot_general3A_26 = tpu.matmul %div3A_22, %get3A_25, %dot_general3A {dimension_numbers = #tpu.dot_dimension_numbers<[1], [0], [0], [1], [0, 0, 1, 1], [], []>, transpose_lhs_hint = false} : vector<1000x128xf32>, vector<128x128xf32>, vector<1000x128xf32> -> vector<1000x128xf32>
    %get3A_27 = arith.constant 0 : index
    %get3A_28 = arith.constant 0 : index
    %get3A_29 = vector.load %arg1[%get3A_27, %get3A_28] : memref<1000x128xf32, #tpu.memory_space<vmem>>, vector<1000x128xf32>
    %get3A_30 = arith.constant 0 : index
    %get3A_31 = arith.constant 0 : index
    %get3A_32 = vector.load %arg5[%get3A_30, %get3A_31] : memref<128x128xf32, #tpu.memory_space<vmem>>, vector<128x128xf32>
    %dot_general3A_33 = arith.constant dense<0.000000e+00> : vector<1000x128xf32>
    %dot_general3A_34 = tpu.matmul %get3A_29, %get3A_32, %dot_general3A_33 {dimension_numbers = #tpu.dot_dimension_numbers<[1], [0], [0], [1], [0, 0, 1, 1], [], []>, transpose_lhs_hint = false} : vector<1000x128xf32>, vector<128x128xf32>, vector<1000x128xf32> -> vector<1000x128xf32>
    %add3A_35 = arith.addf %dot_general3A_26, %dot_general3A_34 : vector<1000x128xf32>
    %get3A_36 = arith.constant 0 : index
    %get3A_37 = arith.constant 0 : index
    %get3A_38 = vector.load %arg6[%get3A_36, %get3A_37] : memref<1x128xf32, #tpu.memory_space<vmem>>, vector<1x128xf32>
    %add3A_39 = vector.broadcast %get3A_38 : vector<1x128xf32> to vector<1000x128xf32>
    %add3A_40 = arith.addf %add3A_35, %add3A_39 : vector<1000x128xf32>
    %swap3A = arith.constant 0 : index
    %swap3A_41 = arith.constant 0 : index
    %swap3A_42 = vector.load %arg7[%swap3A, %swap3A_41] : memref<1000x128xf32, #tpu.memory_space<vmem>>, vector<1000x128xf32>
    tpu.vector_store %arg7[%swap3A, %swap3A_41], %add3A_40 {strides = array<i32>} : memref<1000x128xf32, #tpu.memory_space<vmem>>, vector<1000x128xf32>,
    return
  }
  func.func @transform_0(%arg0: i32) -> (i32, i32) {
    %c0_i32 = arith.constant 0 : i32
    %c0_i32_0 = arith.constant 0 : i32
    return %arg0, %c0_i32 : i32, i32
  }
  func.func @transform_1(%arg0: i32) -> (i32, i32, i32) {
    %c0_i32 = arith.constant 0 : i32
    %c0_i32_0 = arith.constant 0 : i32
    %c0_i32_1 = arith.constant 0 : i32
    return %c0_i32, %arg0, %c0_i32_0 : i32, i32, i32
  }
  func.func @transform_2(%arg0: i32) -> (i32, i32, i32) {
    %c0_i32 = arith.constant 0 : i32
    %c0_i32_0 = arith.constant 0 : i32
    %c0_i32_1 = arith.constant 0 : i32
    return %c0_i32, %arg0, %c0_i32_0 : i32, i32, i32
  }
  func.func @transform_3(%arg0: i32) -> (i32, i32) {
    %c0_i32 = arith.constant 0 : i32
    %c0_i32_0 = arith.constant 0 : i32
    %c0_i32_1 = arith.constant 0 : i32
    return %c0_i32, %c0_i32_0 : i32, i32
  }
  func.func @transform_4(%arg0: i32) -> (i32, i32) {
    %c0_i32 = arith.constant 0 : i32
    %c0_i32_0 = arith.constant 0 : i32
    %c0_i32_1 = arith.constant 0 : i32
    return %c0_i32, %c0_i32_0 : i32, i32
  }
  func.func @transform_5(%arg0: i32) -> (i32, i32) {
    %c0_i32 = arith.constant 0 : i32
    %c0_i32_0 = arith.constant 0 : i32
    %c0_i32_1 = arith.constant 0 : i32
    return %c0_i32, %c0_i32_0 : i32, i32
  }
  func.func @transform_6(%arg0: i32) -> (i32, i32) {
    %c0_i32 = arith.constant 0 : i32
    %c0_i32_0 = arith.constant 0 : i32
    return %arg0, %c0_i32 : i32, i32
  }
}

</mosaic_0001>

<sc_bundles>
// kernel: kernel.10.cloned.1.call-start
scs
__scs_entry_jumppad:
0x0: {  	(pc) =	sbr.rel $0x88, $3  }
0x1: {  	(tag) =	ssettag $0x0;
	lr =	simm.s32 $0x1  }
0x2: {  	[smem:$0x3F99] =	sst lr;
	_ =	strace $0xD0000000  }
0x3: {  	_ = 	snop  }
0x4: {  	_ = 	snop  }
0x5: {  	_ = 	snop  }
0x6: {  	_ = 	snop  }
0x7: {  	_ = 	snop  }
__scs_overlays_trampoline_lowered:
0x8: {  	[smem:$0x3FA8] =	sst s0  }
0x9: {  	[smem:$0x3FA9] =	sst s1  }
0xa: {  	[smem:$0x3FAA] =	sst s2  }
0xb: {  	[smem:$0x3FAB] =	sst s3  }
0xc: {  	[smem:$0x3FAC] =	sst s4  }
0xd: {  	[smem:$0x3FAD] =	sst s5  }
0xe: {  	[smem:$0x3FAE] =	sst s6  }
0xf: {  	[smem:$0x3FAF] =	sst s7  }
0x10: {  	[smem:$0x3FB0] =	sst s8  }
0x11: {  	[smem:$0x3FB1] =	sst s9;
	s0 =	simm.s32 @!p0 $0x0  }
0x12: {  	s1 =	sld [smem:$0x3F97];
	s0 =	simm.s32 @p0 $0x1  }
0x13: {  	[smem:$0x3FB2] =	sst s0;
	s0 =	simm.s32 @!p1 $0x0  }
0x14: {  	s2 =	sld [smem:$0x3F96];
	s0 =	simm.s32 @p1 $0x1  }
0x15: {  	[smem:$0x3FB3] =	sst s0;
	s0 =	simm.s32 @!p2 $0x0  }
0x16: {  	s3 =	sld [smem:$0x3FDB];
	s0 =	simm.s32 @p2 $0x1  }
0x17: {  	s4 =	simm.s32 $0x1BF5;
	[smem:$0x3FB5] =	sst s0  }
0x18: {  	s0 =	sld [smem:$0x3F98];
	_ =	swait.ge [sflag:s4], $0x0  }
0x19: {  	s7 =	sld [smem:$0x3F99]  }
0x1a: {  	s8 =	sadd.s32 $0xFFFFE003, lr  }
0x1b: {  	s9 =	sadd.s32 $0xFFFFFEF7, lr;
	s5 =	simm.s32 $0xFFFFFFFF;
	p2 =	slt.u32 s8, $0xFFFFF086  }
0x1c: {  	p1 =	slt.u32 s9, $0xF7A;
	s5 =	simm.s32 @!p2 $0x0  }
0x1d: {  	s5 =	simm.s32 @p1 $0x1;
	p0 =	seq.s32 s7, s2  }
0x1e: {  	s7 =	smul.u32 @!p0 $0xF7A, s2;
	p2 =	seq.s32 @!p0 s5, $0x0  }
0x1f: {  	s9 =	smul.u32 $0xF7A, s1;
	s8 =	simm.s32 @!p0 $0x1BF5;
	p2 =	por !p2, p0  }
0x20: {  	[sflag:s8] =	ssyncset.s32 @!p0 $0xFFFFF086;
	s6 =	sadd.s32 @!p0 s3, s7;
	s7 =	simm.s32 @!p0 $0x108  }
0x21: {  	s3 =	sadd.s32 s3, s9;
	s6 =	sadd.s32 @!p0 $0x88, s6;
	s7 =	simm.s32 @p2 $0x1082  }
0x22: {  	[simem:s7], [sflag:s8] =	dma.local @!p0 [hbm:s6], $0xF7A  }
0x23: {  	s9 =	sor.u32 $0xD0000000, s2;
	s6 =	simm.s32 $0x108;
	_ =	swait.ge @!p0 [sflag:s8], $0x0  }
0x24: {  	s3 =	sadd.s32 $0x88, s3;
	s6 =	simm.s32 @!p1 $0x1082;
	[sflag:s4] =	ssyncset.s32 $0xFFFFF086  }
0x25: {  	[simem:s6], [sflag:s4] =	dma.local [hbm:s3], $0xF7A  }
0x26: {  	[smem:$0x3F99] =	sst s1;
	(tag) =	ssettag s2;
	_ =	strace s9  }
0x27: {  	s1 =	sld [smem:$0x3FA9]  }
0x28: {  	s2 =	sld [smem:$0x3FAA]  }
0x29: {  	s4 =	sld [smem:$0x3FAC]  }
0x2a: {  	p0 =	seq.s32 s5, $0x0;
	s5 =	sld [smem:$0x3FAD]  }
0x2b: {  	s6 =	sld [smem:$0x3FAE]  }
0x2c: {  	s7 =	sld [smem:$0x3FAF]  }
0x2d: {  	s3 =	simm.s32 $0x108;
	s8 =	sld [smem:$0x3FB0]  }
0x2e: {  	s3 =	simm.s32 @!p0 $0x1082;
	s9 =	sld [smem:$0x3FB1]  }
0x2f: {  	lr =	sadd.s32 s0, s3;
	s0 =	sld [smem:$0x3FA8]  }
0x30: {  	s3 =	sld [smem:$0x3FAB]  }
0x31: {  	[smem:$0x3FB4] =	sst s10  }
0x32: {  	s10 =	sld [smem:$0x3FB2];
	_ =	sdelay $0x3  }
0x33: {  	p0 =	seq.s32 s10, $0x1;
	s10 =	sld [smem:$0x3FB4];
	_ =	sdelay $0x3  }
0x34: {  	[smem:$0x3FB4] =	sst s10  }
0x35: {  	s10 =	sld [smem:$0x3FB3];
	_ =	sdelay $0x3  }
0x36: {  	p1 =	seq.s32 s10, $0x1;
	s10 =	sld [smem:$0x3FB4];
	_ =	sdelay $0x3  }
0x37: {  	[smem:$0x3FB4] =	sst s10  }
0x38: {  	s10 =	sld [smem:$0x3FB5]  }
0x39: {  	_ = 	snop;
	(pc) =	sbr.ind lr, $3  }
0x3a: {  	_ = 	snop  }
0x3b: {  	_ = 	snop  }
0x3c: {  	p2 =	seq.s32 s10, $0x1;
	s10 =	sld [smem:$0x3FB4]  }
0x3d: {  	_ =	shalt  }
0x3e: {  	_ =	shalt  }
0x3f: {  	_ =	shalt  }
0x40: {  	_ =	shalt  }
0x41: {  	_ =	shalt  }
0x42: {  	_ =	shalt  }
0x43: {  	_ =	shalt  }
0x44: {  	_ =	shalt  }
0x45: {  	_ =	shalt  }
0x46: {  	_ =	shalt  }
0x47: {  	_ =	shalt  }
0x48: {  	_ =	shalt  }
0x49: {  	_ =	shalt  }
0x4a: {  	_ =	shalt  }
0x4b: {  	_ =	shalt  }
0x4c: {  	_ =	shalt  }
0x4d: {  	_ =	shalt  }
0x4e: {  	_ =	shalt  }
0x4f: {  	_ =	shalt  }
0x50: {  	_ =	shalt  }
0x51: {  	_ =	shalt  }
0x52: {  	_ =	shalt  }
0x53: {  	_ =	shalt  }
0x54: {  	_ =	shalt  }
0x55: {  	_ =	shalt  }
0x56: {  	_ =	shalt  }
0x57: {  	_ =	shalt  }
0x58: {  	_ =	shalt  }
0x59: {  	_ =	shalt  }
0x5a: {  	_ =	shalt  }
0x5b: {  	_ =	shalt  }
0x5c: {  	_ =	shalt  }
0x5d: {  	_ =	shalt  }
0x5e: {  	_ =	shalt  }
0x5f: {  	_ =	shalt  }
0x60: {  	_ =	shalt  }
0x61: {  	_ =	shalt  }
0x62: {  	_ =	shalt  }
0x63: {  	_ =	shalt  }
0x64: {  	_ =	shalt  }
0x65: {  	_ =	shalt  }
0x66: {  	_ =	shalt  }
0x67: {  	_ =	shalt  }
0x68: {  	_ =	shalt  }
0x69: {  	_ =	shalt  }
0x6a: {  	_ =	shalt  }
0x6b: {  	_ =	shalt  }
0x6c: {  	_ =	shalt  }
0x6d: {  	_ =	shalt  }
0x6e: {  	_ =	shalt  }
0x6f: {  	_ =	shalt  }
0x70: {  	_ =	shalt  }
0x71: {  	_ =	shalt  }
0x72: {  	_ =	shalt  }
0x73: {  	_ =	shalt  }
0x74: {  	_ =	shalt  }
0x75: {  	_ =	shalt  }
0x76: {  	_ =	shalt  }
0x77: {  	_ =	shalt  }
0x78: {  	_ =	shalt  }
0x79: {  	_ =	shalt  }
0x7a: {  	_ =	shalt  }
0x7b: {  	_ =	shalt  }
0x7c: {  	_ =	shalt  }
0x7d: {  	_ =	shalt  }
0x7e: {  	_ =	shalt  }
0x7f: {  	_ =	shalt  }
0x80: {  	_ =	shalt  }
0x81: {  	_ =	shalt  }
0x82: {  	_ =	shalt  }
0x83: {  	_ =	shalt  }
0x84: {  	_ =	shalt  }
0x85: {  	_ =	shalt  }
0x86: {  	_ =	shalt  }
0x87: {  	_ =	shalt  }
.Lfunc_end0:
.L_simem_size_0:
called_computation.1_lowered:
.L_overlay_start_0:
0x88: {  	s2 =	sld [smem:$0x3FD9]  }
0x89: {  	s3 =	sld [smem:$0x3FFE];
	_ =	sdelay $0x1  }
0x8a: {  	s1 =	srdreg.scid  }
0x8b: {  	s0 =	sand.u32 $0x1, s1  }
0x8c: {  	s17 =	sshll.u32 s0, $0xA;
	s2 =	sadd.s32 s3, s2  }
0x8d: {  	s2 =	sadd.s32 s2, s17  }
0x8e: {  	[smem:$0x3FC0] =	sst s2  }
0x8f: {  	_ = 	snop  }
0x90: {  	s18 =	sld [smem:$0x3FC9];
	(tm) =	ssettm $0x1  }
0x91: {  	s19 =	sld [smem:$0x3FFB];
	_ =	sdelay $0x3  }
0x92: {  	_ =	strace s19  }
0x93: {  	s2 =	sld [smem:$0x3FFC];
	_ =	sdelay $0x3  }
0x94: {  	_ =	strace s2  }
0x95: {  	s2 =	sld [smem:$0x3FFD];
	_ =	sdelay $0x3  }
0x96: {  	_ =	strace s2  }
0x97: {  	_ =	strace $0x8FFFFFFF  }
0x98: {  	s20 =	sld [smem:$0x3FDB];
	_ =	sdelay $0x1  }
0x99: {  	s4 =	simm.s32 $_scs_section_size  }
0x9a: {  	s5 =	simm.s32 $_size__tile_overlayer_lowered;
	s6 =	simm.s32 $_tile_overlayer_lowered  }
0x9b: {  	s7 =	simm.s32 $0x1BFF;
	s21 =	sshll.u32 s6, $0x1;
	s4 =	sadd.s32 s4, s20  }
0x9c: {  	s22 =	simm.s32 $0x0;
	s5 =	sshll.u32 s5, $0x1;
	s6 =	sadd.s32 s21, s4  }
0x9d: {  	[timem:s22], [sflag:s7] =	dma.local [hbm:s6], s5  }
0x9e: {  	_ =	swait.ge [sflag:s7], s5  }
0x9f: {  	s5 =	ssub.s32 $0x0, s5;
	[sflag:s7] =	ssyncset.done $0x0  }
0xa0: {  	[sflag:s7] =	ssyncadd.s32 s5;
	_ =	sdelay $0x1  }
0xa1: {  	s23 =	simm.s32 $0x1B8B  }
0xa2: {  	_ =	swait.ge [sflag:s23], $0x1  }
0xa3: {  	[sflag:s23] =	ssyncset.done $0x0  }
0xa4: {  	[sflag:s23] =	ssyncadd.s32 $0xFFFFFFFF  }
0xa5: {  	s5 =	sld [smem:$0x0]  }
0xa6: {  	s6 =	sand.u32 $0xFFFFFFFE, s1  }
0xa7: {  	p0 =	sne.s32 s1, s6  }
0xa8: {  	s6 =	sshll.u32 @p0 s6, $0xE  }
0xa9: {  	s6 =	sadd.s32 @p0 $0x11B8D, s6;
	s7 =	sshll.u32 @p0 s5, $0x11  }
0xaa: {  	s6 =	sor.u32 @p0 s7, s6  }
0xab: {  	[sflag:s6] =	ssyncadd.remote.s32 @p0 $0x1;
	_ =	sdelay $0x1  }
0xac: {  	s6 =	simm.s32 @p0 $0x1B8D  }
0xad: {  	_ =	swait.eq @p0 [sflag:s6], $0x1  }
0xae: {  	[sflag:s6] =	ssyncadd.s32 @p0 $0xFFFFFFFF  }
0xaf: {  	s7 =	sshll.u32 @!p0 s1, $0xE  }
0xb0: {  	s7 =	sor.u32 @!p0 $0x4000, s7;
	s6 =	simm.s32 @!p0 $0x1B8D  }
0xb1: {  	s5 =	sshll.u32 @!p0 s5, $0x11;
	s7 =	sadd.s32 @!p0 $0x11B8D, s7;
	_ =	swait.eq @!p0 [sflag:s6], $0x1  }
0xb2: {  	s5 =	sor.u32 @!p0 s5, s7;
	[sflag:s6] =	ssyncadd.s32 @!p0 $0xFFFFFFFF  }
0xb3: {  	s25 =	simm.s32 $0x1B8E;
	s24 =	sld [smem:$0x3FFE];
	[sflag:s5] =	ssyncadd.remote.s32 @!p0 $0x1  }
0xb4: {  	s26 =	simm.s32 $execute0_lowered;
	[smem:$0x3FD2] =	sst s25  }
0xb5: {  	s6 =	sshll.u32 s26, $0x1;
	_ =	strace $0x80000049;
	[dreg:$0x1] =	wrdreg $0xFFFFFFFF  }
0xb6: {  	s28 =	simm.s32 $_size_execute0_lowered;
	s4 =	sadd.s32 s4, s6;
	[dreg:$0x0] =	wrdreg $0x0  }
0xb7: {  	s6 =	sshll.u32 s28, $0x1;
	[dreg:$0x2] =	wrdreg s4  }
0xb8: {  	[dreg:$0x3] =	wrdreg s6  }
0xb9: {  	[dreg:$0x4] =	wrdreg $0xC0  }
0xba: {  	_ =	task [dreg:s22], $0x5FFFF  }
0xbb: {  	[dreg:$0x1] =	wrdreg $0xFFFFFFFF  }
0xbc: {  	[dreg:$0x0] =	wrdreg $0x60  }
0xbd: {  	[dreg:$0x2] =	wrdreg s18  }
0xbe: {  	[dreg:$0x3] =	wrdreg s24  }
0xbf: {  	[dreg:$0x4] =	wrdreg $0x83000  }
0xc0: {  	[dreg:$0x5] =	wrdreg $0xA  }
0xc1: {  	_ =	task.clear_ibuf [dreg:s22], $0x6FFFF;
	_ =	strace $0x90000049  }
0xc2: {  	s29 =	simm.s32 $0xA;
	_ =	strace $0x8000004B  }
0xc3: {  	_ =	swait.ge [sflag:s29], $0x1  }
0xc4: {  	[sflag:s29] =	ssyncadd.s32 $0xFFFFFFFF  }
0xc5: {  	_ =	strace $0x9000004B  }
0xc6: {  	_ =	sfence  }
0xc7: {  	s30 =	sld [smem:$0x0];
	_ =	sdelay $0x2  }
0xc8: {  	s31 =	sshll.u32 s1, $0xD;
	s1 =	sshrl.u32 s1, $0x2  }
0xc9: {  	s4 =	sand.u32 $0x4000, s31;
	s1 =	sadd.s32 s1, s30  }
0xca: {  	s0 =	sor.u32 s4, s0;
	s1 =	sshll.u32 s1, $0x11  }
0xcb: {  	s0 =	sor.u32 s1, s0  }
0xcc: {  	s0 =	sadd.s32 $0x8F2B, s0  }
0xcd: {  	[sflag:s0] =	ssyncadd.remote.s32 $0x1  }
0xce: {  	_ =	sfence.sel $0xFFFF  }
0xcf: {  	[dreg:$0x0] =	wrdreg $0xFFFFFFFF;
	(pc) =	sbr.abs _section_cstart, $3  }
0xd0: {  	[dreg:$0x1] =	wrdreg $0xFFFFFFFF  }
0xd1: {  	_ =	task.clear_ibuf [dreg:s22], $0x2FFFF;
	_ =	strace $0x9FFFFFFF  }
0xd2: {  	(tm) =	ssettm $0x7FFFFFFF  }
0xd3: {  	_ =	shalt  }
tec
execute0_lowered:
.L_overlay_start_1:
0x0: {  	(tag) =	ssettag $0x1  }
0x1: {  	s2 =	rddreg [dreg:$0x0]  }
0x2: {  	s0 =	rddreg [dreg:$0x1]  }
0x3: {  	s3 =	rddreg [dreg:$0x2];
	s12 =	stileid.u32  }
0x4: {  	s4 =	simm.s32 $0x0;
	s5 =	srdreg.scid;
	s17 =	simm.s32 $0x3  }
0x5: {  	s18 =	simm.s32 $0x100;
	s19 =	simm.s32 $0x80;
	s20 =	simm.s32 $0x300  }
0x6: {  	s22 =	simm.s32 $0x1;
	s1 =	smul.u32 $0x14000, s12;
	[smem:$0x7FF] =	sst s4  }
0x7: {  	s7 =	sand.u32 $0x1, s5;
	s5 =	sadd.s32 $0x84000, s0;
	s6 =	sadd.s32 $0x2000, s0  }
0x8: {  	s24 =	smul.u32 $0x50000, s12;
	s10 =	sshll.u32 s12, $0x1;
	s28 =	sshll.u32 s12, $0x6  }
0x9: {  	_ =	strace $0x8000004A;
	s9 =	smul.u32 $0x140000, s7;
	s11 =	ssub.s32 $0x2, s7  }
0xa: {  	s7 =	sor.u32 s7, s10;
	s8 =	sshrl.u32 s1, $0x3;
	s25 =	sshrl.u32 s11, $0x1  }
0xb: {  	s7 =	smul.u32 $0x2800, s7;
	s8 =	sadd.s32 s8, s0;
	s1 =	sadd.s32 s1, s9  }
0xc: {  	s9 =	sshrl.u32 s24, $0x2;
	s26 =	ssub.s32 s11, s25;
	s24 =	simm.s32 $0x2  }
0xd: {  	s25 =	simm.s32 $0x0;
	s1 =	sshrl.u32 s1, $0x3;
	s16 =	sadd.s32 s9, s3  }
0xe: {  	s8 =	sadd.s32 $0xC000, s8;
	s14 =	sshrl.u32 s7, $0x3;
	s9 =	sor.u32 $0x1C03, s28  }
0xf: {  	s13 =	smax.u32 s26, $0x1;
	[dreg:$0x4] =	wrdreg s8;
	s29 =	sadd.s32 s5, s14  }
0x10: {  	s0 =	sadd.s32 s1, s0;
	s30 =	sadd.s32 s6, s14;
	[dreg:$0x5] =	wrdreg s29  }
0x11: {  	s31 =	sor.u32 $0x10, s14;
	s16 =	sshrl.u32 s16, $0x3;
	[dreg:$0x6] =	wrdreg s30  }
0x12: {  	s12 =	sadd.s32 $0x8E000, s0;
	s14 =	sadd.s32 s5, s31;
	s15 =	sadd.s32 s6, s31  }
.LBB2_1:
0x13: {  	s0 =	rddreg [dreg:$0x4]  }
0x14: {  	[spmem:s16], [sflag:s9] =	dma.local [hbm:s0], $0x2800  }
0x15: {  	_ =	swait.ge [sflag:s17], $0x2800  }
0x16: {  	[sflag:s17] =	ssyncset.done $0x0  }
0x17: {  	[sflag:s17] =	ssyncadd.s32 $0xFFFFD800  }
0x18: {  	[bflag:$0x0] =	sbarrier.arrive $0xFFFF  }
0x19: {  	s11 =	rddreg [dreg:$0x5]  }
0x1a: {  	[tilespmem:s4], [sflag:$0x3] =	stream.linear.gather [hbm4b:s11+s4], $0x80, $0x38;
	[tilespmem:$0x1C300] =	vst v63  }
0x1b: {  	_ =	swait.ge [sflag:s17], $0x80  }
0x1c: {  	[sflag:s17] =	ssyncset.done $0x0  }
0x1d: {  	s21 =	rddreg [dreg:$0x6];
	[sflag:s17] =	ssyncadd.s32 $0xFFFFFF80  }
0x1e: {  	[tilespmem:s18], [sflag:$0x3] =	stream.linear.gather [hbm4b:s21+s4], $0x80, $0x38;
	[tilespmem:$0x1C300] =	vst v63  }
0x1f: {  	_ =	swait.ge [sflag:s17], $0x80  }
0x20: {  	[sflag:s17] =	ssyncset.done $0x0  }
0x21: {  	[sflag:s17] =	ssyncadd.s32 $0xFFFFFF80  }
0x22: {  	[tilespmem:s20], [sflag:$0x1] =	stream.indirect.gather [hbm4b:s2+s19], $0x80, s4, s19, $0xb8;
	[tilespmem:$0x1C300] =	vst v63  }
0x23: {  	_ = 	snop  }
0x24: {  	[tilespmem:s19], [sflag:$0x3] =	stream.linear.gather [hbm4b:s14+s4], $0x80, $0x38;
	[tilespmem:$0x1C300] =	vst v63  }
0x25: {  	_ =	swait.ge [sflag:s17], $0x80  }
0x26: {  	[sflag:s17] =	ssyncset.done $0x0  }
0x27: {  	s23 =	simm.s32 $0x180;
	[sflag:s17] =	ssyncadd.s32 $0xFFFFFF80  }
0x28: {  	[tilespmem:s23], [sflag:$0x3] =	stream.linear.gather [hbm4b:s15+s4], $0x80, $0x38;
	[tilespmem:$0x1C300] =	vst v63  }
0x29: {  	_ =	swait.ge [sflag:s17], $0x80  }
0x2a: {  	s26 =	simm.s32 $0x4300;
	s1 =	smin.u32 s24, $0x4F;
	[sflag:s17] =	ssyncset.done $0x0  }
0x2b: {  	s8 =	simm.s32 $0x400;
	s0 =	sshll.u32 s1, $0x7;
	[sflag:s17] =	ssyncadd.s32 $0xFFFFFF80  }
0x2c: {  	s30 =	simm.s32 $0x3;
	s1 =	sand.u32 $0x3C00, s0;
	_ =	swait.ge [sflag:s22], $0x4000  }
0x2d: {  	s0 =	sand.u32 $0x380, s0;
	s1 =	sadd.s32 s7, s1;
	[sflag:s22] =	ssyncset.done $0x0  }
0x2e: {  	s31 =	simm.s32 $0x10000;
	s0 =	sor.u32 s0, s1;
	[sflag:s22] =	ssyncadd.s32 $0xFFFFC000  }
0x2f: {  	[tilespmem:s26], [sflag:$0x1] =	stream.indirect.gather [hbm4b:s2+s19], $0x80, s19, s19, $0xb8;
	[tilespmem:$0x1C300] =	vst v63  }
0x30: {  	s28 =	simm.s32 $0x600;
	s0 =	sshrl.u32 s0, $0x3;
	s21 =	sand.u32 $0x1, s24  }
0x31: {  	[spmem:s3] =	stream.indirect.scatter.add.f32 [tilespmem:s20], [sflag:$0x2], $0x80, s18, s19, $0xb8;
	[tilespmem:$0x1C300] =	vst v63  }
0x32: {  	s10 =	smin.u32 s30, $0x4F;
	s29 =	sshll.u32 s21, $0x7;
	s23 =	sadd.s32 s5, s0  }
0x33: {  	[tilespmem:s29], [sflag:$0x3] =	stream.linear.gather [hbm4b:s23+s4], $0x80, $0x38;
	[tilespmem:$0x1C300] =	vst v63  }
0x34: {  	s1 =	sand.u32 $0x600, s8;
	s8 =	simm.s32 $0x200;
	_ =	swait.ge [sflag:s17], $0x80  }
0x35: {  	s1 =	sshrl.u32 s1, $0x2;
	s8 =	sand.u32 $0x600, s8;
	[sflag:s17] =	ssyncset.done $0x0  }
0x36: {  	s1 =	sadd.s32 $0x100, s1;
	s0 =	sadd.s32 s6, s0;
	[sflag:s17] =	ssyncadd.s32 $0xFFFFFF80  }
0x37: {  	[tilespmem:s1], [sflag:$0x3] =	stream.linear.gather [hbm4b:s0+s4], $0x80, $0x38;
	[tilespmem:$0x1C300] =	vst v63  }
0x38: {  	s21 =	sshll.u32 s21, $0xE;
	s1 =	sshll.u32 s10, $0x7;
	_ =	swait.ge [sflag:s17], $0x80  }
0x39: {  	s26 =	simm.s32 $0x20000;
	s11 =	sand.u32 $0x3C00, s1;
	[sflag:s17] =	ssyncset.done $0x0  }
0x3a: {  	s1 =	sand.u32 $0x380, s1;
	s23 =	sadd.s32 s7, s11;
	[sflag:s17] =	ssyncadd.s32 $0xFFFFFF80  }
0x3b: {  	s0 =	simm.s32 $0x30000;
	s23 =	sor.u32 s1, s23;
	_ =	swait.ge [sflag:s22], $0x4000  }
0x3c: {  	s1 =	sor.u32 $0x300, s21;
	s21 =	sshrl.u32 s8, $0x2;
	[sflag:s22] =	ssyncset.done $0x0  }
.LBB2_2:
0x3d: {  	s8 =	sshrl.u32 s23, $0x3;
	s23 =	sand.u32 $0x10000, s31;
	[sflag:s22] =	ssyncadd.s32 $0xFFFFC000  }
0x3e: {  	s31 =	smov.u32 s26;
	s26 =	smov.u32 s0;
	s10 =	smov.u32 s28  }
0x3f: {  	s11 =	sand.u32 $0x1, s30;
	s23 =	sshrl.u32 s23, $0x2;
	_ =	swait.ge [sflag:s24], $0x4000  }
0x40: {  	s21 =	sadd.s32 $0x100, s21;
	s23 =	sor.u32 $0x300, s23;
	[sflag:s24] =	ssyncset.done $0x0  }
0x41: {  	p0 =	sne.s32 s0, $0x4F0000;
	s0 =	sadd.s32 $0x10000, s0;
	[sflag:s24] =	ssyncadd.s32 $0xFFFFC000  }
0x42: {  	[tilespmem:s1], [sflag:$0x1] =	stream.indirect.gather [hbm4b:s2+s19], $0x80, s29, s19, $0xb8;
	[tilespmem:$0x1C300] =	vst v63  }
0x43: {  	s1 =	sand.u32 $0x600, s28  }
0x44: {  	[spmem:s3] =	stream.indirect.scatter.add.f32 [tilespmem:s23], [sflag:$0x2], $0x80, s21, s19, $0xb8;
	[tilespmem:$0x1C300] =	vst v63  }
0x45: {  	s29 =	sshll.u32 s11, $0x7;
	s1 =	sshrl.u32 s1, $0x2;
	s21 =	sadd.s32 s5, s8  }
0x46: {  	[tilespmem:s29], [sflag:$0x3] =	stream.linear.gather [hbm4b:s21+s4], $0x80, $0x38;
	[tilespmem:$0x1C300] =	vst v63  }
0x47: {  	s11 =	sshll.u32 s11, $0xE;
	s28 =	sadd.s32 $0x200, s28;
	_ =	swait.ge [sflag:s17], $0x80  }
0x48: {  	s8 =	sadd.s32 s6, s8;
	s21 =	sadd.s32 $0x100, s1;
	[sflag:s17] =	ssyncset.done $0x0  }
0x49: {  	s30 =	sadd.s32 $0x1, s30;
	s1 =	sor.u32 $0x300, s11;
	[sflag:s17] =	ssyncadd.s32 $0xFFFFFF80  }
0x4a: {  	[tilespmem:s21], [sflag:$0x3] =	stream.linear.gather [hbm4b:s8+s4], $0x80, $0x38;
	[tilespmem:$0x1C300] =	vst v63  }
.Ltmp0:
0x4b: {  	s8 =	smin.u32 s30, $0x4F;
	_ =	swait.ge [sflag:s17], $0x80;
	(pc) =	sbr.rel @p0 .LBB2_2-.Ltmp0, $4  }
0x4c: {  	s10 =	sadd.s32 $0xFFFFFE00, s10;
	s8 =	sshll.u32 s8, $0x7;
	[sflag:s17] =	ssyncset.done $0x0  }
0x4d: {  	s10 =	sand.u32 $0x600, s10;
	s11 =	sand.u32 $0x3C00, s8;
	[sflag:s17] =	ssyncadd.s32 $0xFFFFFF80  }
0x4e: {  	s8 =	sand.u32 $0x380, s8;
	s11 =	sadd.s32 s7, s11;
	_ =	swait.ge [sflag:s22], $0x4000  }
0x4f: {  	s21 =	sshrl.u32 s10, $0x2;
	s23 =	sor.u32 s8, s11;
	[sflag:s22] =	ssyncset.done $0x0  }
0x50: {  	[sflag:s22] =	ssyncadd.s32 $0xFFFFC000  }
0x51: {  	_ =	swait.ge [sflag:s24], $0x4000  }
0x52: {  	s0 =	sand.u32 $0x10000, s31;
	[sflag:s24] =	ssyncset.done $0x0  }
0x53: {  	s8 =	sshrl.u32 s23, $0x3;
	s0 =	sshrl.u32 s0, $0x2;
	[sflag:s24] =	ssyncadd.s32 $0xFFFFC000  }
0x54: {  	[tilespmem:s1], [sflag:$0x1] =	stream.indirect.gather [hbm4b:s2+s19], $0x80, s29, s19, $0xb8;
	[tilespmem:$0x1C300] =	vst v63  }
0x55: {  	s31 =	sand.u32 $0x1, s30;
	s10 =	sadd.s32 $0x100, s21;
	s0 =	sor.u32 $0x300, s0  }
0x56: {  	[spmem:s3] =	stream.indirect.scatter.add.f32 [tilespmem:s0], [sflag:$0x2], $0x80, s10, s19, $0xb8;
	[tilespmem:$0x1C300] =	vst v63  }
0x57: {  	s11 =	sshll.u32 s31, $0x7;
	s21 =	sadd.s32 s5, s8  }
0x58: {  	[tilespmem:s11], [sflag:$0x3] =	stream.linear.gather [hbm4b:s21+s4], $0x80, $0x38;
	[tilespmem:$0x1C300] =	vst v63  }
0x59: {  	s23 =	sand.u32 $0x600, s28;
	_ =	swait.ge [sflag:s17], $0x80  }
0x5a: {  	s10 =	sshrl.u32 s23, $0x2;
	[sflag:s17] =	ssyncset.done $0x0  }
0x5b: {  	s8 =	sadd.s32 s6, s8;
	s10 =	sadd.s32 $0x100, s10;
	[sflag:s17] =	ssyncadd.s32 $0xFFFFFF80  }
0x5c: {  	[tilespmem:s10], [sflag:$0x3] =	stream.linear.gather [hbm4b:s8+s4], $0x80, $0x38;
	[tilespmem:$0x1C300] =	vst v63  }
0x5d: {  	_ =	swait.ge [sflag:s17], $0x80  }
0x5e: {  	[sflag:s17] =	ssyncset.done $0x0  }
0x5f: {  	[sflag:s17] =	ssyncadd.s32 $0xFFFFFF80  }
0x60: {  	_ =	swait.ge [sflag:s22], $0x4000  }
0x61: {  	[sflag:s22] =	ssyncset.done $0x0  }
0x62: {  	s28 =	sadd.s32 $0xFFFFFE00, s28;
	[sflag:s22] =	ssyncadd.s32 $0xFFFFC000  }
0x63: {  	s1 =	sshll.u32 s31, $0xE;
	s29 =	sand.u32 $0x10000, s26;
	_ =	swait.ge [sflag:s24], $0x4000  }
0x64: {  	s1 =	sor.u32 $0x300, s1;
	s8 =	sand.u32 $0x600, s28;
	[sflag:s24] =	ssyncset.done $0x0  }
0x65: {  	s10 =	sshrl.u32 s29, $0x2;
	s8 =	sshrl.u32 s8, $0x2;
	[sflag:s24] =	ssyncadd.s32 $0xFFFFC000  }
0x66: {  	[tilespmem:s1], [sflag:$0x1] =	stream.indirect.gather [hbm4b:s2+s19], $0x80, s11, s19, $0xb8;
	[tilespmem:$0x1C300] =	vst v63  }
0x67: {  	s30 =	sor.u32 $0x300, s10;
	s31 =	sadd.s32 $0x100, s8  }
0x68: {  	[spmem:s3] =	stream.indirect.scatter.add.f32 [tilespmem:s30], [sflag:$0x2], $0x80, s31, s19, $0xb8;
	[tilespmem:$0x1C300] =	vst v63  }
0x69: {  	_ =	swait.ge [sflag:s24], $0x4000  }
0x6a: {  	[sflag:s24] =	ssyncset.done $0x0  }
0x6b: {  	[sflag:s24] =	ssyncadd.s32 $0xFFFFC000  }
0x6c: {  	_ =	swait.ge [sflag:s22], $0x4000  }
0x6d: {  	s25 =	sadd.s32 $0x1, s25;
	[sflag:s22] =	ssyncset.done $0x0  }
0x6e: {  	p0 =	sne.s32 s25, s13;
	[sflag:s22] =	ssyncadd.s32 $0xFFFFC000  }
.Ltmp1:
0x6f: {  	[bflag:$0x0] =	sbarrier.arrive $0xFFFF;
	(pc) =	sbr.rel @p0 .LBB2_1-.Ltmp1, $4  }
0x70: {  	[hbm:s12], [sflag:s9] =	dma.local [spmem:s16], $0x2800  }
0x71: {  	_ =	swait.ge [sflag:s17], $0x2800  }
0x72: {  	[sflag:s17] =	ssyncset.done $0x0  }
0x73: {  	[sflag:s17] =	ssyncadd.s32 $0xFFFFD800  }
0x74: {  	_ =	sfence.sel $0x180000  }
0x75: {  	[bflag:$0x0] =	sbarrier.arrive $0xFFFF  }
0x76: {  	_ =	strace $0x9000004A  }
0x77: {  	s0 =	stileid.u32;
	[bflag:$0x2] =	sbarrier.arrive $0xFFFF  }
0x78: {  	p0 =	sne.s32 s0, $0x0;
	s0 =	rddreg [dreg:$0x3]  }
0x79: {  	s0 =	sadd.s32 @!p0 $0x100000, s0  }
0x7a: {  	[sflag:s0] =	ssyncadd.tile.s32 @!p0 $0x1;
	_ =	shalt  }
.Lfunc_end2:
_tile_overlayer_lowered:
.L_overlay_start_2:
0x7b: {  	(tag) =	ssettag $0x2  }
0x7c: {  	s0 =	rddreg [dreg:$0x0];
	s2 =	stileid.u32  }
0x7d: {  	s1 =	rddreg [dreg:$0x1];
	p0 =	sne.s32 s2, $0x0  }
0x7e: {  	s3 =	rddreg [dreg:$0x2];
	[bflag:$0x3] =	sbarrier.arrive $0xFFFF;
	s2 =	simm.s32 @!p0 $0x1C03  }
0x7f: {  	[timem:s3], [sflag:s2] =	dma.local @!p0 [hbm:s0], s1  }
0x80: {  	s0 =	simm.s32 @!p0 $0x3  }
0x81: {  	_ =	swait.ge @!p0 [sflag:s0], s1  }
0x82: {  	s1 =	ssub.s32 @!p0 $0x0, s1;
	[sflag:s0] =	ssyncset.done @!p0 $0x0  }
0x83: {  	[sflag:s0] =	ssyncadd.s32 @!p0 s1  }
0x84: {  	[bflag:$0x3] =	sbarrier.arrive $0xFFFF  }
0x85: {  	_ =	shalt  }

// kernel: kernel.13.cloned.1.call-start
scs
__scs_entry_jumppad:
0x0: {  	(pc) =	sbr.rel $0x88, $3  }
0x1: {  	(tag) =	ssettag $0x0;
	lr =	simm.s32 $0x1  }
0x2: {  	[smem:$0x3F99] =	sst lr;
	_ =	strace $0xD0000000  }
0x3: {  	_ = 	snop  }
0x4: {  	_ = 	snop  }
0x5: {  	_ = 	snop  }
0x6: {  	_ = 	snop  }
0x7: {  	_ = 	snop  }
__scs_overlays_trampoline_lowered:
0x8: {  	[smem:$0x3FA8] =	sst s0  }
0x9: {  	[smem:$0x3FA9] =	sst s1  }
0xa: {  	[smem:$0x3FAA] =	sst s2  }
0xb: {  	[smem:$0x3FAB] =	sst s3  }
0xc: {  	[smem:$0x3FAC] =	sst s4  }
0xd: {  	[smem:$0x3FAD] =	sst s5  }
0xe: {  	[smem:$0x3FAE] =	sst s6  }
0xf: {  	[smem:$0x3FAF] =	sst s7  }
0x10: {  	[smem:$0x3FB0] =	sst s8  }
0x11: {  	[smem:$0x3FB1] =	sst s9;
	s0 =	simm.s32 @!p0 $0x0  }
0x12: {  	s1 =	sld [smem:$0x3F97];
	s0 =	simm.s32 @p0 $0x1  }
0x13: {  	[smem:$0x3FB2] =	sst s0;
	s0 =	simm.s32 @!p1 $0x0  }
0x14: {  	s2 =	sld [smem:$0x3F96];
	s0 =	simm.s32 @p1 $0x1  }
0x15: {  	[smem:$0x3FB3] =	sst s0;
	s0 =	simm.s32 @!p2 $0x0  }
0x16: {  	s3 =	sld [smem:$0x3FDB];
	s0 =	simm.s32 @p2 $0x1  }
0x17: {  	s4 =	simm.s32 $0x1BF5;
	[smem:$0x3FB5] =	sst s0  }
0x18: {  	s0 =	sld [smem:$0x3F98];
	_ =	swait.ge [sflag:s4], $0x0  }
0x19: {  	s7 =	sld [smem:$0x3F99]  }
0x1a: {  	s8 =	sadd.s32 $0xFFFFE003, lr  }
0x1b: {  	s9 =	sadd.s32 $0xFFFFFEF7, lr;
	s5 =	simm.s32 $0xFFFFFFFF;
	p2 =	slt.u32 s8, $0xFFFFF086  }
0x1c: {  	p1 =	slt.u32 s9, $0xF7A;
	s5 =	simm.s32 @!p2 $0x0  }
0x1d: {  	s5 =	simm.s32 @p1 $0x1;
	p0 =	seq.s32 s7, s2  }
0x1e: {  	s7 =	smul.u32 @!p0 $0xF7A, s2;
	p2 =	seq.s32 @!p0 s5, $0x0  }
0x1f: {  	s9 =	smul.u32 $0xF7A, s1;
	s8 =	simm.s32 @!p0 $0x1BF5;
	p2 =	por !p2, p0  }
0x20: {  	[sflag:s8] =	ssyncset.s32 @!p0 $0xFFFFF086;
	s6 =	sadd.s32 @!p0 s3, s7;
	s7 =	simm.s32 @!p0 $0x108  }
0x21: {  	s3 =	sadd.s32 s3, s9;
	s6 =	sadd.s32 @!p0 $0x88, s6;
	s7 =	simm.s32 @p2 $0x1082  }
0x22: {  	[simem:s7], [sflag:s8] =	dma.local @!p0 [hbm:s6], $0xF7A  }
0x23: {  	s9 =	sor.u32 $0xD0000000, s2;
	s6 =	simm.s32 $0x108;
	_ =	swait.ge @!p0 [sflag:s8], $0x0  }
0x24: {  	s3 =	sadd.s32 $0x88, s3;
	s6 =	simm.s32 @!p1 $0x1082;
	[sflag:s4] =	ssyncset.s32 $0xFFFFF086  }
0x25: {  	[simem:s6], [sflag:s4] =	dma.local [hbm:s3], $0xF7A  }
0x26: {  	[smem:$0x3F99] =	sst s1;
	(tag) =	ssettag s2;
	_ =	strace s9  }
0x27: {  	s1 =	sld [smem:$0x3FA9]  }
0x28: {  	s2 =	sld [smem:$0x3FAA]  }
0x29: {  	s4 =	sld [smem:$0x3FAC]  }
0x2a: {  	p0 =	seq.s32 s5, $0x0;
	s5 =	sld [smem:$0x3FAD]  }
0x2b: {  	s6 =	sld [smem:$0x3FAE]  }
0x2c: {  	s7 =	sld [smem:$0x3FAF]  }
0x2d: {  	s3 =	simm.s32 $0x108;
	s8 =	sld [smem:$0x3FB0]  }
0x2e: {  	s3 =	simm.s32 @!p0 $0x1082;
	s9 =	sld [smem:$0x3FB1]  }
0x2f: {  	lr =	sadd.s32 s0, s3;
	s0 =	sld [smem:$0x3FA8]  }
0x30: {  	s3 =	sld [smem:$0x3FAB]  }
0x31: {  	[smem:$0x3FB4] =	sst s10  }
0x32: {  	s10 =	sld [smem:$0x3FB2];
	_ =	sdelay $0x3  }
0x33: {  	p0 =	seq.s32 s10, $0x1;
	s10 =	sld [smem:$0x3FB4];
	_ =	sdelay $0x3  }
0x34: {  	[smem:$0x3FB4] =	sst s10  }
0x35: {  	s10 =	sld [smem:$0x3FB3];
	_ =	sdelay $0x3  }
0x36: {  	p1 =	seq.s32 s10, $0x1;
	s10 =	sld [smem:$0x3FB4];
	_ =	sdelay $0x3  }
0x37: {  	[smem:$0x3FB4] =	sst s10  }
0x38: {  	s10 =	sld [smem:$0x3FB5]  }
0x39: {  	_ = 	snop;
	(pc) =	sbr.ind lr, $3  }
0x3a: {  	_ = 	snop  }
0x3b: {  	_ = 	snop  }
0x3c: {  	p2 =	seq.s32 s10, $0x1;
	s10 =	sld [smem:$0x3FB4]  }
0x3d: {  	_ =	shalt  }
0x3e: {  	_ =	shalt  }
0x3f: {  	_ =	shalt  }
0x40: {  	_ =	shalt  }
0x41: {  	_ =	shalt  }
0x42: {  	_ =	shalt  }
0x43: {  	_ =	shalt  }
0x44: {  	_ =	shalt  }
0x45: {  	_ =	shalt  }
0x46: {  	_ =	shalt  }
0x47: {  	_ =	shalt  }
0x48: {  	_ =	shalt  }
0x49: {  	_ =	shalt  }
0x4a: {  	_ =	shalt  }
0x4b: {  	_ =	shalt  }
0x4c: {  	_ =	shalt  }
0x4d: {  	_ =	shalt  }
0x4e: {  	_ =	shalt  }
0x4f: {  	_ =	shalt  }
0x50: {  	_ =	shalt  }
0x51: {  	_ =	shalt  }
0x52: {  	_ =	shalt  }
0x53: {  	_ =	shalt  }
0x54: {  	_ =	shalt  }
0x55: {  	_ =	shalt  }
0x56: {  	_ =	shalt  }
0x57: {  	_ =	shalt  }
0x58: {  	_ =	shalt  }
0x59: {  	_ =	shalt  }
0x5a: {  	_ =	shalt  }
0x5b: {  	_ =	shalt  }
0x5c: {  	_ =	shalt  }
0x5d: {  	_ =	shalt  }
0x5e: {  	_ =	shalt  }
0x5f: {  	_ =	shalt  }
0x60: {  	_ =	shalt  }
0x61: {  	_ =	shalt  }
0x62: {  	_ =	shalt  }
0x63: {  	_ =	shalt  }
0x64: {  	_ =	shalt  }
0x65: {  	_ =	shalt  }
0x66: {  	_ =	shalt  }
0x67: {  	_ =	shalt  }
0x68: {  	_ =	shalt  }
0x69: {  	_ =	shalt  }
0x6a: {  	_ =	shalt  }
0x6b: {  	_ =	shalt  }
0x6c: {  	_ =	shalt  }
0x6d: {  	_ =	shalt  }
0x6e: {  	_ =	shalt  }
0x6f: {  	_ =	shalt  }
0x70: {  	_ =	shalt  }
0x71: {  	_ =	shalt  }
0x72: {  	_ =	shalt  }
0x73: {  	_ =	shalt  }
0x74: {  	_ =	shalt  }
0x75: {  	_ =	shalt  }
0x76: {  	_ =	shalt  }
0x77: {  	_ =	shalt  }
0x78: {  	_ =	shalt  }
0x79: {  	_ =	shalt  }
0x7a: {  	_ =	shalt  }
0x7b: {  	_ =	shalt  }
0x7c: {  	_ =	shalt  }
0x7d: {  	_ =	shalt  }
0x7e: {  	_ =	shalt  }
0x7f: {  	_ =	shalt  }
0x80: {  	_ =	shalt  }
0x81: {  	_ =	shalt  }
0x82: {  	_ =	shalt  }
0x83: {  	_ =	shalt  }
0x84: {  	_ =	shalt  }
0x85: {  	_ =	shalt  }
0x86: {  	_ =	shalt  }
0x87: {  	_ =	shalt  }
.Lfunc_end0:
.L_simem_size_0:
called_computation.2_lowered:
.L_overlay_start_0:
0x88: {  	s2 =	sld [smem:$0x3FD9]  }
0x89: {  	s3 =	sld [smem:$0x3FFE];
	_ =	sdelay $0x1  }
0x8a: {  	s1 =	srdreg.scid  }
0x8b: {  	s0 =	sand.u32 $0x1, s1  }
0x8c: {  	s17 =	sshll.u32 s0, $0xA;
	s2 =	sadd.s32 s3, s2  }
0x8d: {  	s2 =	sadd.s32 s2, s17  }
0x8e: {  	[smem:$0x3FC0] =	sst s2  }
0x8f: {  	_ = 	snop  }
0x90: {  	s2 =	sld [smem:$0x3FD0];
	(tm) =	ssettm $0x1  }
0x91: {  	s18 =	sld [smem:$0x3FFB];
	_ =	sdelay $0x3  }
0x92: {  	_ =	strace s18  }
0x93: {  	s3 =	sld [smem:$0x3FFC];
	_ =	sdelay $0x3  }
0x94: {  	_ =	strace s3  }
0x95: {  	s3 =	sld [smem:$0x3FFD];
	_ =	sdelay $0x3  }
0x96: {  	_ =	strace s3  }
0x97: {  	_ =	strace $0x8FFFFFFF  }
0x98: {  	s19 =	sld [smem:$0x3FDB];
	_ =	sdelay $0x1  }
0x99: {  	s4 =	simm.s32 $_scs_section_size  }
0x9a: {  	s5 =	simm.s32 $_size__tile_overlayer_lowered;
	s6 =	simm.s32 $_tile_overlayer_lowered  }
0x9b: {  	s22 =	simm.s32 $0x1BFF;
	s21 =	sshll.u32 s6, $0x1;
	s3 =	sadd.s32 s4, s19  }
0x9c: {  	s7 =	simm.s32 $0x0;
	s20 =	sshll.u32 s5, $0x1;
	s5 =	sadd.s32 s21, s3  }
0x9d: {  	[timem:s7], [sflag:s22] =	dma.local [hbm:s5], s20  }
0x9e: {  	_ =	swait.ge [sflag:s22], s20  }
0x9f: {  	s4 =	ssub.s32 $0x0, s20;
	[sflag:s22] =	ssyncset.done $0x0  }
0xa0: {  	[sflag:s22] =	ssyncadd.s32 s4;
	_ =	sdelay $0x1  }
0xa1: {  	s23 =	simm.s32 $0x1B8B  }
0xa2: {  	_ =	swait.ge [sflag:s23], $0x1  }
0xa3: {  	[sflag:s23] =	ssyncset.done $0x0  }
0xa4: {  	s25 =	simm.s32 $0x1B8E;
	s24 =	sld [smem:$0x3FFE];
	[sflag:s23] =	ssyncadd.s32 $0xFFFFFFFF  }
0xa5: {  	s26 =	simm.s32 $execute0_lowered;
	[smem:$0x3FD2] =	sst s25  }
0xa6: {  	s5 =	sshll.u32 s26, $0x1;
	_ =	strace $0x8000004C;
	[dreg:$0x1] =	wrdreg $0xFFFFFFFF  }
0xa7: {  	s28 =	simm.s32 $_size_execute0_lowered;
	s3 =	sadd.s32 s3, s5;
	[dreg:$0x0] =	wrdreg $0x0  }
0xa8: {  	s5 =	sshll.u32 s28, $0x1;
	[dreg:$0x2] =	wrdreg s3  }
0xa9: {  	[dreg:$0x3] =	wrdreg s5  }
0xaa: {  	[dreg:$0x4] =	wrdreg $0xC0  }
0xab: {  	_ =	task [dreg:s7], $0x5FFFF  }
0xac: {  	[dreg:$0x1] =	wrdreg $0xFFFFFFFF  }
0xad: {  	[dreg:$0x0] =	wrdreg $0x60  }
0xae: {  	[dreg:$0x2] =	wrdreg s2  }
0xaf: {  	[dreg:$0x3] =	wrdreg s24  }
0xb0: {  	[dreg:$0x4] =	wrdreg $0x83000  }
0xb1: {  	[dreg:$0x5] =	wrdreg $0x9  }
0xb2: {  	_ =	task.clear_ibuf [dreg:s7], $0x6FFFF;
	_ =	strace $0x9000004C  }
0xb3: {  	s29 =	simm.s32 $0x9;
	_ =	strace $0x8000004E  }
0xb4: {  	_ =	swait.ge [sflag:s29], $0x1  }
0xb5: {  	[sflag:s29] =	ssyncadd.s32 $0xFFFFFFFF  }
0xb6: {  	_ =	strace $0x9000004E  }
0xb7: {  	_ =	sfence  }
0xb8: {  	s30 =	sld [smem:$0x0];
	_ =	sdelay $0x2  }
0xb9: {  	s31 =	sshll.u32 s1, $0xD;
	s1 =	sshrl.u32 s1, $0x2  }
0xba: {  	s3 =	sand.u32 $0x4000, s31;
	s1 =	sadd.s32 s1, s30  }
0xbb: {  	s0 =	sor.u32 s3, s0;
	s1 =	sshll.u32 s1, $0x11  }
0xbc: {  	s0 =	sor.u32 s1, s0  }
0xbd: {  	s0 =	sadd.s32 $0x8F2B, s0  }
0xbe: {  	[sflag:s0] =	ssyncadd.remote.s32 $0x1  }
0xbf: {  	_ =	sfence.sel $0xFFFF  }
0xc0: {  	[dreg:$0x0] =	wrdreg $0xFFFFFFFF;
	(pc) =	sbr.abs _section_cstart, $3  }
0xc1: {  	[dreg:$0x1] =	wrdreg $0xFFFFFFFF  }
0xc2: {  	_ =	task.clear_ibuf [dreg:s7], $0x2FFFF;
	_ =	strace $0x9FFFFFFF  }
0xc3: {  	(tm) =	ssettm $0x7FFFFFFF  }
tec
execute0_lowered:
.L_overlay_start_1:
0x0: {  	(tag) =	ssettag $0x1  }
0x1: {  	s2 =	rddreg [dreg:$0x0]  }
0x2: {  	s0 =	rddreg [dreg:$0x1]  }
0x3: {  	s3 =	rddreg [dreg:$0x2];
	s12 =	stileid.u32  }
0x4: {  	s4 =	simm.s32 $0x0;
	s5 =	srdreg.scid;
	s17 =	simm.s32 $0x3  }
0x5: {  	s18 =	simm.s32 $0x100;
	s19 =	simm.s32 $0x80;
	s20 =	simm.s32 $0x300  }
0x6: {  	s22 =	simm.s32 $0x1;
	s1 =	smul.u32 $0x14000, s12;
	[smem:$0x7FF] =	sst s4  }
0x7: {  	s7 =	sand.u32 $0x1, s5;
	s5 =	sadd.s32 $0x84000, s0;
	s6 =	sadd.s32 $0x2000, s0  }
0x8: {  	s24 =	smul.u32 $0x50000, s12;
	s10 =	sshll.u32 s12, $0x1;
	s28 =	sshll.u32 s12, $0x6  }
0x9: {  	_ =	strace $0x8000004D;
	s9 =	smul.u32 $0x140000, s7;
	s11 =	ssub.s32 $0x2, s7  }
0xa: {  	s7 =	sor.u32 s7, s10;
	s8 =	sshrl.u32 s1, $0x3;
	s25 =	sshrl.u32 s11, $0x1  }
0xb: {  	s7 =	smul.u32 $0x2800, s7;
	s8 =	sadd.s32 s8, s0;
	s1 =	sadd.s32 s1, s9  }
0xc: {  	s9 =	sshrl.u32 s24, $0x2;
	s26 =	ssub.s32 s11, s25;
	s24 =	simm.s32 $0x2  }
0xd: {  	s25 =	simm.s32 $0x0;
	s1 =	sshrl.u32 s1, $0x3;
	s16 =	sadd.s32 s9, s3  }
0xe: {  	s8 =	sadd.s32 $0xC000, s8;
	s14 =	sshrl.u32 s7, $0x3;
	s9 =	sor.u32 $0x1C03, s28  }
0xf: {  	s13 =	smax.u32 s26, $0x1;
	[dreg:$0x4] =	wrdreg s8;
	s29 =	sadd.s32 s5, s14  }
0x10: {  	s0 =	sadd.s32 s1, s0;
	s30 =	sadd.s32 s6, s14;
	[dreg:$0x5] =	wrdreg s29  }
0x11: {  	s31 =	sor.u32 $0x10, s14;
	s16 =	sshrl.u32 s16, $0x3;
	[dreg:$0x6] =	wrdreg s30  }
0x12: {  	s12 =	sadd.s32 $0x8E000, s0;
	s14 =	sadd.s32 s5, s31;
	s15 =	sadd.s32 s6, s31  }
.LBB2_1:
0x13: {  	s0 =	rddreg [dreg:$0x4]  }
0x14: {  	[spmem:s16], [sflag:s9] =	dma.local [hbm:s0], $0x2800  }
0x15: {  	_ =	swait.ge [sflag:s17], $0x2800  }
0x16: {  	[sflag:s17] =	ssyncset.done $0x0  }
0x17: {  	[sflag:s17] =	ssyncadd.s32 $0xFFFFD800  }
0x18: {  	[bflag:$0x0] =	sbarrier.arrive $0xFFFF  }
0x19: {  	s11 =	rddreg [dreg:$0x5]  }
0x1a: {  	[tilespmem:s4], [sflag:$0x3] =	stream.linear.gather [hbm4b:s11+s4], $0x80, $0x38;
	[tilespmem:$0x1C300] =	vst v63  }
0x1b: {  	_ =	swait.ge [sflag:s17], $0x80  }
0x1c: {  	[sflag:s17] =	ssyncset.done $0x0  }
0x1d: {  	s21 =	rddreg [dreg:$0x6];
	[sflag:s17] =	ssyncadd.s32 $0xFFFFFF80  }
0x1e: {  	[tilespmem:s18], [sflag:$0x3] =	stream.linear.gather [hbm4b:s21+s4], $0x80, $0x38;
	[tilespmem:$0x1C300] =	vst v63  }
0x1f: {  	_ =	swait.ge [sflag:s17], $0x80  }
0x20: {  	[sflag:s17] =	ssyncset.done $0x0  }
0x21: {  	[sflag:s17] =	ssyncadd.s32 $0xFFFFFF80  }
0x22: {  	[tilespmem:s20], [sflag:$0x1] =	stream.indirect.gather [hbm4b:s2+s19], $0x80, s4, s19, $0xb8;
	[tilespmem:$0x1C300] =	vst v63  }
0x23: {  	_ = 	snop  }
0x24: {  	[tilespmem:s19], [sflag:$0x3] =	stream.linear.gather [hbm4b:s14+s4], $0x80, $0x38;
	[tilespmem:$0x1C300] =	vst v63  }
0x25: {  	_ =	swait.ge [sflag:s17], $0x80  }
0x26: {  	[sflag:s17] =	ssyncset.done $0x0  }
0x27: {  	s23 =	simm.s32 $0x180;
	[sflag:s17] =	ssyncadd.s32 $0xFFFFFF80  }
0x28: {  	[tilespmem:s23], [sflag:$0x3] =	stream.linear.gather [hbm4b:s15+s4], $0x80, $0x38;
	[tilespmem:$0x1C300] =	vst v63  }
0x29: {  	_ =	swait.ge [sflag:s17], $0x80  }
0x2a: {  	s26 =	simm.s32 $0x4300;
	s1 =	smin.u32 s24, $0x4F;
	[sflag:s17] =	ssyncset.done $0x0  }
0x2b: {  	s8 =	simm.s32 $0x400;
	s0 =	sshll.u32 s1, $0x7;
	[sflag:s17] =	ssyncadd.s32 $0xFFFFFF80  }
0x2c: {  	s30 =	simm.s32 $0x3;
	s1 =	sand.u32 $0x3C00, s0;
	_ =	swait.ge [sflag:s22], $0x4000  }
0x2d: {  	s0 =	sand.u32 $0x380, s0;
	s1 =	sadd.s32 s7, s1;
	[sflag:s22] =	ssyncset.done $0x0  }
0x2e: {  	s31 =	simm.s32 $0x10000;
	s0 =	sor.u32 s0, s1;
	[sflag:s22] =	ssyncadd.s32 $0xFFFFC000  }
0x2f: {  	[tilespmem:s26], [sflag:$0x1] =	stream.indirect.gather [hbm4b:s2+s19], $0x80, s19, s19, $0xb8;
	[tilespmem:$0x1C300] =	vst v63  }
0x30: {  	s28 =	simm.s32 $0x600;
	s0 =	sshrl.u32 s0, $0x3;
	s21 =	sand.u32 $0x1, s24  }
0x31: {  	[spmem:s3] =	stream.indirect.scatter.add.f32 [tilespmem:s20], [sflag:$0x2], $0x80, s18, s19, $0xb8;
	[tilespmem:$0x1C300] =	vst v63  }
0x32: {  	s10 =	smin.u32 s30, $0x4F;
	s29 =	sshll.u32 s21, $0x7;
	s23 =	sadd.s32 s5, s0  }
0x33: {  	[tilespmem:s29], [sflag:$0x3] =	stream.linear.gather [hbm4b:s23+s4], $0x80, $0x38;
	[tilespmem:$0x1C300] =	vst v63  }
0x34: {  	s1 =	sand.u32 $0x600, s8;
	s8 =	simm.s32 $0x200;
	_ =	swait.ge [sflag:s17], $0x80  }
0x35: {  	s1 =	sshrl.u32 s1, $0x2;
	s8 =	sand.u32 $0x600, s8;
	[sflag:s17] =	ssyncset.done $0x0  }
0x36: {  	s1 =	sadd.s32 $0x100, s1;
	s0 =	sadd.s32 s6, s0;
	[sflag:s17] =	ssyncadd.s32 $0xFFFFFF80  }
0x37: {  	[tilespmem:s1], [sflag:$0x3] =	stream.linear.gather [hbm4b:s0+s4], $0x80, $0x38;
	[tilespmem:$0x1C300] =	vst v63  }
0x38: {  	s21 =	sshll.u32 s21, $0xE;
	s1 =	sshll.u32 s10, $0x7;
	_ =	swait.ge [sflag:s17], $0x80  }
0x39: {  	s26 =	simm.s32 $0x20000;
	s11 =	sand.u32 $0x3C00, s1;
	[sflag:s17] =	ssyncset.done $0x0  }
0x3a: {  	s1 =	sand.u32 $0x380, s1;
	s23 =	sadd.s32 s7, s11;
	[sflag:s17] =	ssyncadd.s32 $0xFFFFFF80  }
0x3b: {  	s0 =	simm.s32 $0x30000;
	s23 =	sor.u32 s1, s23;
	_ =	swait.ge [sflag:s22], $0x4000  }
0x3c: {  	s1 =	sor.u32 $0x300, s21;
	s21 =	sshrl.u32 s8, $0x2;
	[sflag:s22] =	ssyncset.done $0x0  }
.LBB2_2:
0x3d: {  	s8 =	sshrl.u32 s23, $0x3;
	s23 =	sand.u32 $0x10000, s31;
	[sflag:s22] =	ssyncadd.s32 $0xFFFFC000  }
0x3e: {  	s31 =	smov.u32 s26;
	s26 =	smov.u32 s0;
	s10 =	smov.u32 s28  }
0x3f: {  	s11 =	sand.u32 $0x1, s30;
	s23 =	sshrl.u32 s23, $0x2;
	_ =	swait.ge [sflag:s24], $0x4000  }
0x40: {  	s21 =	sadd.s32 $0x100, s21;
	s23 =	sor.u32 $0x300, s23;
	[sflag:s24] =	ssyncset.done $0x0  }
0x41: {  	p0 =	sne.s32 s0, $0x4F0000;
	s0 =	sadd.s32 $0x10000, s0;
	[sflag:s24] =	ssyncadd.s32 $0xFFFFC000  }
0x42: {  	[tilespmem:s1], [sflag:$0x1] =	stream.indirect.gather [hbm4b:s2+s19], $0x80, s29, s19, $0xb8;
	[tilespmem:$0x1C300] =	vst v63  }
0x43: {  	s1 =	sand.u32 $0x600, s28  }
0x44: {  	[spmem:s3] =	stream.indirect.scatter.add.f32 [tilespmem:s23], [sflag:$0x2], $0x80, s21, s19, $0xb8;
	[tilespmem:$0x1C300] =	vst v63  }
0x45: {  	s29 =	sshll.u32 s11, $0x7;
	s1 =	sshrl.u32 s1, $0x2;
	s21 =	sadd.s32 s5, s8  }
0x46: {  	[tilespmem:s29], [sflag:$0x3] =	stream.linear.gather [hbm4b:s21+s4], $0x80, $0x38;
	[tilespmem:$0x1C300] =	vst v63  }
0x47: {  	s11 =	sshll.u32 s11, $0xE;
	s28 =	sadd.s32 $0x200, s28;
	_ =	swait.ge [sflag:s17], $0x80  }
0x48: {  	s8 =	sadd.s32 s6, s8;
	s21 =	sadd.s32 $0x100, s1;
	[sflag:s17] =	ssyncset.done $0x0  }
0x49: {  	s30 =	sadd.s32 $0x1, s30;
	s1 =	sor.u32 $0x300, s11;
	[sflag:s17] =	ssyncadd.s32 $0xFFFFFF80  }
0x4a: {  	[tilespmem:s21], [sflag:$0x3] =	stream.linear.gather [hbm4b:s8+s4], $0x80, $0x38;
	[tilespmem:$0x1C300] =	vst v63  }
.Ltmp0:
0x4b: {  	s8 =	smin.u32 s30, $0x4F;
	_ =	swait.ge [sflag:s17], $0x80;
	(pc) =	sbr.rel @p0 .LBB2_2-.Ltmp0, $4  }
0x4c: {  	s10 =	sadd.s32 $0xFFFFFE00, s10;
	s8 =	sshll.u32 s8, $0x7;
	[sflag:s17] =	ssyncset.done $0x0  }
0x4d: {  	s10 =	sand.u32 $0x600, s10;
	s11 =	sand.u32 $0x3C00, s8;
	[sflag:s17] =	ssyncadd.s32 $0xFFFFFF80  }
0x4e: {  	s8 =	sand.u32 $0x380, s8;
	s11 =	sadd.s32 s7, s11;
	_ =	swait.ge [sflag:s22], $0x4000  }
0x4f: {  	s21 =	sshrl.u32 s10, $0x2;
	s23 =	sor.u32 s8, s11;
	[sflag:s22] =	ssyncset.done $0x0  }
0x50: {  	[sflag:s22] =	ssyncadd.s32 $0xFFFFC000  }
0x51: {  	_ =	swait.ge [sflag:s24], $0x4000  }
0x52: {  	s0 =	sand.u32 $0x10000, s31;
	[sflag:s24] =	ssyncset.done $0x0  }
0x53: {  	s8 =	sshrl.u32 s23, $0x3;
	s0 =	sshrl.u32 s0, $0x2;
	[sflag:s24] =	ssyncadd.s32 $0xFFFFC000  }
0x54: {  	[tilespmem:s1], [sflag:$0x1] =	stream.indirect.gather [hbm4b:s2+s19], $0x80, s29, s19, $0xb8;
	[tilespmem:$0x1C300] =	vst v63  }
0x55: {  	s31 =	sand.u32 $0x1, s30;
	s10 =	sadd.s32 $0x100, s21;
	s0 =	sor.u32 $0x300, s0  }
0x56: {  	[spmem:s3] =	stream.indirect.scatter.add.f32 [tilespmem:s0], [sflag:$0x2], $0x80, s10, s19, $0xb8;
	[tilespmem:$0x1C300] =	vst v63  }
0x57: {  	s11 =	sshll.u32 s31, $0x7;
	s21 =	sadd.s32 s5, s8  }
0x58: {  	[tilespmem:s11], [sflag:$0x3] =	stream.linear.gather [hbm4b:s21+s4], $0x80, $0x38;
	[tilespmem:$0x1C300] =	vst v63  }
0x59: {  	s23 =	sand.u32 $0x600, s28;
	_ =	swait.ge [sflag:s17], $0x80  }
0x5a: {  	s10 =	sshrl.u32 s23, $0x2;
	[sflag:s17] =	ssyncset.done $0x0  }
0x5b: {  	s8 =	sadd.s32 s6, s8;
	s10 =	sadd.s32 $0x100, s10;
	[sflag:s17] =	ssyncadd.s32 $0xFFFFFF80  }
0x5c: {  	[tilespmem:s10], [sflag:$0x3] =	stream.linear.gather [hbm4b:s8+s4], $0x80, $0x38;
	[tilespmem:$0x1C300] =	vst v63  }
0x5d: {  	_ =	swait.ge [sflag:s17], $0x80  }
0x5e: {  	[sflag:s17] =	ssyncset.done $0x0  }
0x5f: {  	[sflag:s17] =	ssyncadd.s32 $0xFFFFFF80  }
0x60: {  	_ =	swait.ge [sflag:s22], $0x4000  }
0x61: {  	[sflag:s22] =	ssyncset.done $0x0  }
0x62: {  	s28 =	sadd.s32 $0xFFFFFE00, s28;
	[sflag:s22] =	ssyncadd.s32 $0xFFFFC000  }
0x63: {  	s1 =	sshll.u32 s31, $0xE;
	s29 =	sand.u32 $0x10000, s26;
	_ =	swait.ge [sflag:s24], $0x4000  }
0x64: {  	s1 =	sor.u32 $0x300, s1;
	s8 =	sand.u32 $0x600, s28;
	[sflag:s24] =	ssyncset.done $0x0  }
0x65: {  	s10 =	sshrl.u32 s29, $0x2;
	s8 =	sshrl.u32 s8, $0x2;
	[sflag:s24] =	ssyncadd.s32 $0xFFFFC000  }
0x66: {  	[tilespmem:s1], [sflag:$0x1] =	stream.indirect.gather [hbm4b:s2+s19], $0x80, s11, s19, $0xb8;
	[tilespmem:$0x1C300] =	vst v63  }
0x67: {  	s30 =	sor.u32 $0x300, s10;
	s31 =	sadd.s32 $0x100, s8  }
0x68: {  	[spmem:s3] =	stream.indirect.scatter.add.f32 [tilespmem:s30], [sflag:$0x2], $0x80, s31, s19, $0xb8;
	[tilespmem:$0x1C300] =	vst v63  }
0x69: {  	_ =	swait.ge [sflag:s24], $0x4000  }
0x6a: {  	[sflag:s24] =	ssyncset.done $0x0  }
0x6b: {  	[sflag:s24] =	ssyncadd.s32 $0xFFFFC000  }
0x6c: {  	_ =	swait.ge [sflag:s22], $0x4000  }
0x6d: {  	s25 =	sadd.s32 $0x1, s25;
	[sflag:s22] =	ssyncset.done $0x0  }
0x6e: {  	p0 =	sne.s32 s25, s13;
	[sflag:s22] =	ssyncadd.s32 $0xFFFFC000  }
.Ltmp1:
0x6f: {  	[bflag:$0x0] =	sbarrier.arrive $0xFFFF;
	(pc) =	sbr.rel @p0 .LBB2_1-.Ltmp1, $4  }
0x70: {  	[hbm:s12], [sflag:s9] =	dma.local [spmem:s16], $0x2800  }
0x71: {  	_ =	swait.ge [sflag:s17], $0x2800  }
0x72: {  	[sflag:s17] =	ssyncset.done $0x0  }
0x73: {  	[sflag:s17] =	ssyncadd.s32 $0xFFFFD800  }
0x74: {  	_ =	sfence.sel $0x180000  }
0x75: {  	[bflag:$0x0] =	sbarrier.arrive $0xFFFF  }
0x76: {  	_ =	strace $0x9000004D  }
0x77: {  	s0 =	stileid.u32;
	[bflag:$0x2] =	sbarrier.arrive $0xFFFF  }
0x78: {  	p0 =	sne.s32 s0, $0x0;
	s0 =	rddreg [dreg:$0x3]  }
0x79: {  	s0 =	sadd.s32 @!p0 $0x100000, s0  }
0x7a: {  	[sflag:s0] =	ssyncadd.tile.s32 @!p0 $0x1;
	_ =	shalt  }
.Lfunc_end2:
_tile_overlayer_lowered:
.L_overlay_start_2:
0x7b: {  	(tag) =	ssettag $0x2  }
0x7c: {  	s0 =	rddreg [dreg:$0x0];
	s2 =	stileid.u32  }
0x7d: {  	s1 =	rddreg [dreg:$0x1];
	p0 =	sne.s32 s2, $0x0  }
0x7e: {  	s3 =	rddreg [dreg:$0x2];
	[bflag:$0x3] =	sbarrier.arrive $0xFFFF;
	s2 =	simm.s32 @!p0 $0x1C03  }
0x7f: {  	[timem:s3], [sflag:s2] =	dma.local @!p0 [hbm:s0], s1  }
0x80: {  	s0 =	simm.s32 @!p0 $0x3  }
0x81: {  	_ =	swait.ge @!p0 [sflag:s0], s1  }
0x82: {  	s1 =	ssub.s32 @!p0 $0x0, s1;
	[sflag:s0] =	ssyncset.done @!p0 $0x0  }
0x83: {  	[sflag:s0] =	ssyncadd.s32 @!p0 s1  }
0x84: {  	[bflag:$0x3] =	sbarrier.arrive $0xFFFF  }
0x85: {  	_ =	shalt  }

// kernel: kernel.7.cloned.1.call-start
scs
__scs_entry_jumppad:
0x0: {  	(pc) =	sbr.rel $0x88, $3  }
0x1: {  	(tag) =	ssettag $0x0;
	lr =	simm.s32 $0x1  }
0x2: {  	[smem:$0x3F99] =	sst lr;
	_ =	strace $0xD0000000  }
0x3: {  	_ = 	snop  }
0x4: {  	_ = 	snop  }
0x5: {  	_ = 	snop  }
0x6: {  	_ = 	snop  }
0x7: {  	_ = 	snop  }
__scs_overlays_trampoline_lowered:
0x8: {  	[smem:$0x3FA8] =	sst s0  }
0x9: {  	[smem:$0x3FA9] =	sst s1  }
0xa: {  	[smem:$0x3FAA] =	sst s2  }
0xb: {  	[smem:$0x3FAB] =	sst s3  }
0xc: {  	[smem:$0x3FAC] =	sst s4  }
0xd: {  	[smem:$0x3FAD] =	sst s5  }
0xe: {  	[smem:$0x3FAE] =	sst s6  }
0xf: {  	[smem:$0x3FAF] =	sst s7  }
0x10: {  	[smem:$0x3FB0] =	sst s8  }
0x11: {  	[smem:$0x3FB1] =	sst s9;
	s0 =	simm.s32 @!p0 $0x0  }
0x12: {  	s1 =	sld [smem:$0x3F97];
	s0 =	simm.s32 @p0 $0x1  }
0x13: {  	[smem:$0x3FB2] =	sst s0;
	s0 =	simm.s32 @!p1 $0x0  }
0x14: {  	s2 =	sld [smem:$0x3F96];
	s0 =	simm.s32 @p1 $0x1  }
0x15: {  	[smem:$0x3FB3] =	sst s0;
	s0 =	simm.s32 @!p2 $0x0  }
0x16: {  	s3 =	sld [smem:$0x3FDB];
	s0 =	simm.s32 @p2 $0x1  }
0x17: {  	s4 =	simm.s32 $0x1BF5;
	[smem:$0x3FB5] =	sst s0  }
0x18: {  	s0 =	sld [smem:$0x3F98];
	_ =	swait.ge [sflag:s4], $0x0  }
0x19: {  	s7 =	sld [smem:$0x3F99]  }
0x1a: {  	s8 =	sadd.s32 $0xFFFFE003, lr  }
0x1b: {  	s9 =	sadd.s32 $0xFFFFFEF7, lr;
	s5 =	simm.s32 $0xFFFFFFFF;
	p2 =	slt.u32 s8, $0xFFFFF086  }
0x1c: {  	p1 =	slt.u32 s9, $0xF7A;
	s5 =	simm.s32 @!p2 $0x0  }
0x1d: {  	s5 =	simm.s32 @p1 $0x1;
	p0 =	seq.s32 s7, s2  }
0x1e: {  	s7 =	smul.u32 @!p0 $0xF7A, s2;
	p2 =	seq.s32 @!p0 s5, $0x0  }
0x1f: {  	s9 =	smul.u32 $0xF7A, s1;
	s8 =	simm.s32 @!p0 $0x1BF5;
	p2 =	por !p2, p0  }
0x20: {  	[sflag:s8] =	ssyncset.s32 @!p0 $0xFFFFF086;
	s6 =	sadd.s32 @!p0 s3, s7;
	s7 =	simm.s32 @!p0 $0x108  }
0x21: {  	s3 =	sadd.s32 s3, s9;
	s6 =	sadd.s32 @!p0 $0x88, s6;
	s7 =	simm.s32 @p2 $0x1082  }
0x22: {  	[simem:s7], [sflag:s8] =	dma.local @!p0 [hbm:s6], $0xF7A  }
0x23: {  	s9 =	sor.u32 $0xD0000000, s2;
	s6 =	simm.s32 $0x108;
	_ =	swait.ge @!p0 [sflag:s8], $0x0  }
0x24: {  	s3 =	sadd.s32 $0x88, s3;
	s6 =	simm.s32 @!p1 $0x1082;
	[sflag:s4] =	ssyncset.s32 $0xFFFFF086  }
0x25: {  	[simem:s6], [sflag:s4] =	dma.local [hbm:s3], $0xF7A  }
0x26: {  	[smem:$0x3F99] =	sst s1;
	(tag) =	ssettag s2;
	_ =	strace s9  }
0x27: {  	s1 =	sld [smem:$0x3FA9]  }
0x28: {  	s2 =	sld [smem:$0x3FAA]  }
0x29: {  	s4 =	sld [smem:$0x3FAC]  }
0x2a: {  	p0 =	seq.s32 s5, $0x0;
	s5 =	sld [smem:$0x3FAD]  }
0x2b: {  	s6 =	sld [smem:$0x3FAE]  }
0x2c: {  	s7 =	sld [smem:$0x3FAF]  }
0x2d: {  	s3 =	simm.s32 $0x108;
	s8 =	sld [smem:$0x3FB0]  }
0x2e: {  	s3 =	simm.s32 @!p0 $0x1082;
	s9 =	sld [smem:$0x3FB1]  }
0x2f: {  	lr =	sadd.s32 s0, s3;
	s0 =	sld [smem:$0x3FA8]  }
0x30: {  	s3 =	sld [smem:$0x3FAB]  }
0x31: {  	[smem:$0x3FB4] =	sst s10  }
0x32: {  	s10 =	sld [smem:$0x3FB2];
	_ =	sdelay $0x3  }
0x33: {  	p0 =	seq.s32 s10, $0x1;
	s10 =	sld [smem:$0x3FB4];
	_ =	sdelay $0x3  }
0x34: {  	[smem:$0x3FB4] =	sst s10  }
0x35: {  	s10 =	sld [smem:$0x3FB3];
	_ =	sdelay $0x3  }
0x36: {  	p1 =	seq.s32 s10, $0x1;
	s10 =	sld [smem:$0x3FB4];
	_ =	sdelay $0x3  }
0x37: {  	[smem:$0x3FB4] =	sst s10  }
0x38: {  	s10 =	sld [smem:$0x3FB5]  }
0x39: {  	_ = 	snop;
	(pc) =	sbr.ind lr, $3  }
0x3a: {  	_ = 	snop  }
0x3b: {  	_ = 	snop  }
0x3c: {  	p2 =	seq.s32 s10, $0x1;
	s10 =	sld [smem:$0x3FB4]  }
0x3d: {  	_ =	shalt  }
0x3e: {  	_ =	shalt  }
0x3f: {  	_ =	shalt  }
0x40: {  	_ =	shalt  }
0x41: {  	_ =	shalt  }
0x42: {  	_ =	shalt  }
0x43: {  	_ =	shalt  }
0x44: {  	_ =	shalt  }
0x45: {  	_ =	shalt  }
0x46: {  	_ =	shalt  }
0x47: {  	_ =	shalt  }
0x48: {  	_ =	shalt  }
0x49: {  	_ =	shalt  }
0x4a: {  	_ =	shalt  }
0x4b: {  	_ =	shalt  }
0x4c: {  	_ =	shalt  }
0x4d: {  	_ =	shalt  }
0x4e: {  	_ =	shalt  }
0x4f: {  	_ =	shalt  }
0x50: {  	_ =	shalt  }
0x51: {  	_ =	shalt  }
0x52: {  	_ =	shalt  }
0x53: {  	_ =	shalt  }
0x54: {  	_ =	shalt  }
0x55: {  	_ =	shalt  }
0x56: {  	_ =	shalt  }
0x57: {  	_ =	shalt  }
0x58: {  	_ =	shalt  }
0x59: {  	_ =	shalt  }
0x5a: {  	_ =	shalt  }
0x5b: {  	_ =	shalt  }
0x5c: {  	_ =	shalt  }
0x5d: {  	_ =	shalt  }
0x5e: {  	_ =	shalt  }
0x5f: {  	_ =	shalt  }
0x60: {  	_ =	shalt  }
0x61: {  	_ =	shalt  }
0x62: {  	_ =	shalt  }
0x63: {  	_ =	shalt  }
0x64: {  	_ =	shalt  }
0x65: {  	_ =	shalt  }
0x66: {  	_ =	shalt  }
0x67: {  	_ =	shalt  }
0x68: {  	_ =	shalt  }
0x69: {  	_ =	shalt  }
0x6a: {  	_ =	shalt  }
0x6b: {  	_ =	shalt  }
0x6c: {  	_ =	shalt  }
0x6d: {  	_ =	shalt  }
0x6e: {  	_ =	shalt  }
0x6f: {  	_ =	shalt  }
0x70: {  	_ =	shalt  }
0x71: {  	_ =	shalt  }
0x72: {  	_ =	shalt  }
0x73: {  	_ =	shalt  }
0x74: {  	_ =	shalt  }
0x75: {  	_ =	shalt  }
0x76: {  	_ =	shalt  }
0x77: {  	_ =	shalt  }
0x78: {  	_ =	shalt  }
0x79: {  	_ =	shalt  }
0x7a: {  	_ =	shalt  }
0x7b: {  	_ =	shalt  }
0x7c: {  	_ =	shalt  }
0x7d: {  	_ =	shalt  }
0x7e: {  	_ =	shalt  }
0x7f: {  	_ =	shalt  }
0x80: {  	_ =	shalt  }
0x81: {  	_ =	shalt  }
0x82: {  	_ =	shalt  }
0x83: {  	_ =	shalt  }
0x84: {  	_ =	shalt  }
0x85: {  	_ =	shalt  }
0x86: {  	_ =	shalt  }
0x87: {  	_ =	shalt  }
.Lfunc_end0:
.L_simem_size_0:
called_computation_lowered:
.L_overlay_start_0:
0x88: {  	s2 =	sld [smem:$0x3FD9]  }
0x89: {  	s3 =	sld [smem:$0x3FFE];
	_ =	sdelay $0x1  }
0x8a: {  	s1 =	srdreg.scid  }
0x8b: {  	s0 =	sand.u32 $0x1, s1  }
0x8c: {  	s17 =	sshll.u32 s0, $0xA;
	s2 =	sadd.s32 s3, s2  }
0x8d: {  	s2 =	sadd.s32 s2, s17  }
0x8e: {  	[smem:$0x3FC0] =	sst s2  }
0x8f: {  	_ = 	snop  }
0x90: {  	s2 =	sld [smem:$0x3FD0];
	(tm) =	ssettm $0x1  }
0x91: {  	s18 =	sld [smem:$0x3FFB];
	_ =	sdelay $0x3  }
0x92: {  	_ =	strace s18  }
0x93: {  	s3 =	sld [smem:$0x3FFC];
	_ =	sdelay $0x3  }
0x94: {  	_ =	strace s3  }
0x95: {  	s3 =	sld [smem:$0x3FFD];
	_ =	sdelay $0x3  }
0x96: {  	_ =	strace s3  }
0x97: {  	_ =	strace $0x8FFFFFFF  }
0x98: {  	s19 =	sld [smem:$0x3FDB];
	_ =	sdelay $0x1  }
0x99: {  	s4 =	simm.s32 $_scs_section_size  }
0x9a: {  	s5 =	simm.s32 $_size__tile_overlayer_lowered;
	s6 =	simm.s32 $_tile_overlayer_lowered  }
0x9b: {  	s22 =	simm.s32 $0x1BFF;
	s21 =	sshll.u32 s6, $0x1;
	s3 =	sadd.s32 s4, s19  }
0x9c: {  	s7 =	simm.s32 $0x0;
	s20 =	sshll.u32 s5, $0x1;
	s5 =	sadd.s32 s21, s3  }
0x9d: {  	[timem:s7], [sflag:s22] =	dma.local [hbm:s5], s20  }
0x9e: {  	_ =	swait.ge [sflag:s22], s20  }
0x9f: {  	s4 =	ssub.s32 $0x0, s20;
	[sflag:s22] =	ssyncset.done $0x0  }
0xa0: {  	[sflag:s22] =	ssyncadd.s32 s4;
	_ =	sdelay $0x1  }
0xa1: {  	s23 =	simm.s32 $0x1B8B  }
0xa2: {  	_ =	swait.ge [sflag:s23], $0x1  }
0xa3: {  	[sflag:s23] =	ssyncset.done $0x0  }
0xa4: {  	s25 =	simm.s32 $0x1B8E;
	s24 =	sld [smem:$0x3FFE];
	[sflag:s23] =	ssyncadd.s32 $0xFFFFFFFF  }
0xa5: {  	s26 =	simm.s32 $execute0_lowered;
	[smem:$0x3FD2] =	sst s25  }
0xa6: {  	s5 =	sshll.u32 s26, $0x1;
	_ =	strace $0x80000046;
	[dreg:$0x1] =	wrdreg $0xFFFFFFFF  }
0xa7: {  	s28 =	simm.s32 $_size_execute0_lowered;
	s3 =	sadd.s32 s3, s5;
	[dreg:$0x0] =	wrdreg $0x0  }
0xa8: {  	s5 =	sshll.u32 s28, $0x1;
	[dreg:$0x2] =	wrdreg s3  }
0xa9: {  	[dreg:$0x3] =	wrdreg s5  }
0xaa: {  	[dreg:$0x4] =	wrdreg $0xC0  }
0xab: {  	_ =	task [dreg:s7], $0x5FFFF  }
0xac: {  	[dreg:$0x1] =	wrdreg $0xFFFFFFFF  }
0xad: {  	[dreg:$0x0] =	wrdreg $0x60  }
0xae: {  	[dreg:$0x2] =	wrdreg s24  }
0xaf: {  	[dreg:$0x3] =	wrdreg s2  }
0xb0: {  	[dreg:$0x4] =	wrdreg $0x42000  }
0xb1: {  	[dreg:$0x5] =	wrdreg $0x9  }
0xb2: {  	_ =	task.clear_ibuf [dreg:s7], $0x6FFFF;
	_ =	strace $0x90000046  }
0xb3: {  	s29 =	simm.s32 $0x9;
	_ =	strace $0x80000048  }
0xb4: {  	_ =	swait.ge [sflag:s29], $0x1  }
0xb5: {  	[sflag:s29] =	ssyncadd.s32 $0xFFFFFFFF  }
0xb6: {  	_ =	strace $0x90000048  }
0xb7: {  	_ =	sfence  }
0xb8: {  	s30 =	sld [smem:$0x0];
	_ =	sdelay $0x2  }
0xb9: {  	s31 =	sshll.u32 s1, $0xD;
	s1 =	sshrl.u32 s1, $0x2  }
0xba: {  	s3 =	sand.u32 $0x4000, s31;
	s1 =	sadd.s32 s1, s30  }
0xbb: {  	s0 =	sor.u32 s3, s0;
	s1 =	sshll.u32 s1, $0x11  }
0xbc: {  	s0 =	sor.u32 s1, s0  }
0xbd: {  	s0 =	sadd.s32 $0x8F2B, s0  }
0xbe: {  	[sflag:s0] =	ssyncadd.remote.s32 $0x1  }
0xbf: {  	_ =	sfence.sel $0xFFFF  }
0xc0: {  	[dreg:$0x0] =	wrdreg $0xFFFFFFFF;
	(pc) =	sbr.abs _section_cstart, $3  }
0xc1: {  	[dreg:$0x1] =	wrdreg $0xFFFFFFFF  }
0xc2: {  	_ =	task.clear_ibuf [dreg:s7], $0x2FFFF;
	_ =	strace $0x9FFFFFFF  }
0xc3: {  	(tm) =	ssettm $0x7FFFFFFF  }
tec
execute0_lowered:
.L_overlay_start_1:
0x0: {  	(tag) =	ssettag $0x1  }
0x1: {  	s7 =	rddreg [dreg:$0x0]  }
0x2: {  	s2 =	rddreg [dreg:$0x1]  }
0x3: {  	s3 =	rddreg [dreg:$0x2]  }
0x4: {  	s0 =	rddreg [dreg:$0x3];
	s1 =	stileid.u32  }
0x5: {  	s5 =	srdreg.scid;
	s4 =	simm.s32 $0x0;
	s15 =	simm.s32 $0x80  }
0x6: {  	s16 =	simm.s32 $0x2;
	s17 =	simm.s32 $0x1;
	s18 =	simm.s32 $0x0  }
0x7: {  	s6 =	smul.u32 $0x14000, s1;
	s8 =	sand.u32 $0x1, s5;
	[smem:$0x7FF] =	sst s4  }
0x8: {  	s5 =	sadd.s32 $0x2000, s7;
	s25 =	sshll.u32 s1, $0x1;
	s12 =	smul.u32 $0x50000, s1  }
0x9: {  	s30 =	sshll.u32 s1, $0x6;
	s9 =	smul.u32 $0x140000, s8;
	_ =	strace $0x80000047  }
0xa: {  	s11 =	ssub.s32 $0x2, s8;
	s8 =	sor.u32 s8, s25;
	s10 =	sshrl.u32 s6, $0x3  }
0xb: {  	s13 =	sshrl.u32 s11, $0x1;
	s28 =	sshrl.u32 s12, $0x2;
	s6 =	sadd.s32 s6, s9  }
0xc: {  	s10 =	sadd.s32 s10, s7;
	s26 =	sshrl.u32 s6, $0x3;
	s6 =	smul.u32 $0x2800, s8  }
0xd: {  	s11 =	ssub.s32 s11, s13;
	s29 =	sadd.s32 s28, s3;
	s8 =	sor.u32 $0x1C02, s30  }
0xe: {  	s11 =	smax.u32 s11, $0x1;
	s13 =	sshrl.u32 s29, $0x3;
	s31 =	sshrl.u32 s6, $0x3  }
0xf: {  	s14 =	sadd.s32 s26, s7;
	s7 =	sadd.s32 $0xC000, s10;
	s9 =	sadd.s32 s5, s31  }
0x10: {  	s10 =	sadd.s32 $0x34000, s14;
	s14 =	simm.s32 $0x200;
	s12 =	sadd.s32 $0x10, s9  }
.LBB2_1:
0x11: {  	[spmem:s13], [sflag:s8] =	dma.local [hbm:s7], $0x2800  }
0x12: {  	_ =	swait.ge [sflag:s16], $0x2800  }
0x13: {  	[sflag:s16] =	ssyncset.done $0x0  }
0x14: {  	[sflag:s16] =	ssyncadd.s32 $0xFFFFD800  }
0x15: {  	[tilespmem:s14], [sflag:$0x2] =	stream.linear.gather [hbm4b:s2+s4], $0x4000, $0x38;
	[tilespmem:$0x18200] =	vst v63  }
0x16: {  	_ =	swait.ge [sflag:s16], $0x4000  }
0x17: {  	[sflag:s16] =	ssyncset.done $0x0  }
0x18: {  	[sflag:s16] =	ssyncadd.s32 $0xFFFFC000  }
0x19: {  	[bflag:$0x0] =	sbarrier.arrive $0xFFFF  }
0x1a: {  	[tilespmem:s4], [sflag:$0x2] =	stream.linear.gather [hbm4b:s9+s4], $0x80, $0x38;
	[tilespmem:$0x18200] =	vst v63  }
0x1b: {  	s19 =	smin.u32 s16, $0x4F;
	_ =	swait.ge [sflag:s16], $0x80  }
0x1c: {  	s19 =	sshll.u32 s19, $0x7;
	[sflag:s16] =	ssyncset.done $0x0  }
0x1d: {  	s20 =	sand.u32 $0x3C00, s19;
	[sflag:s16] =	ssyncadd.s32 $0xFFFFFF80  }
0x1e: {  	[tilespmem:s15], [sflag:$0x2] =	stream.linear.gather [hbm4b:s12+s4], $0x80, $0x38;
	[tilespmem:$0x18200] =	vst v63  }
0x1f: {  	s19 =	sand.u32 $0x380, s19;
	s20 =	sadd.s32 s6, s20;
	_ =	swait.ge [sflag:s16], $0x80  }
0x20: {  	s21 =	simm.s32 $0x400;
	s19 =	sor.u32 s19, s20;
	[sflag:s16] =	ssyncset.done $0x0  }
0x21: {  	s31 =	sand.u32 $0x600, s21;
	s19 =	sshrl.u32 s19, $0x3;
	[sflag:s16] =	ssyncadd.s32 $0xFFFFFF80  }
0x22: {  	[spmem:s3] =	stream.indirect.scatter.add.f32 [tilespmem:s14], [sflag:$0x1], $0x80, s4, s15, $0xb8;
	[tilespmem:$0x18200] =	vst v63  }
0x23: {  	s20 =	sshrl.u32 s31, $0x2;
	s19 =	sadd.s32 s5, s19  }
0x24: {  	[tilespmem:s20], [sflag:$0x2] =	stream.linear.gather [hbm4b:s19+s4], $0x80, $0x38;
	[tilespmem:$0x18200] =	vst v63  }
0x25: {  	s24 =	simm.s32 $0x200;
	s20 =	simm.s32 $0x3;
	_ =	swait.ge [sflag:s16], $0x80  }
0x26: {  	s21 =	simm.s32 $0x800;
	s22 =	smin.u32 s20, $0x4F;
	[sflag:s16] =	ssyncset.done $0x0  }
0x27: {  	s24 =	sand.u32 $0x600, s24;
	s22 =	sshll.u32 s22, $0x7;
	[sflag:s16] =	ssyncadd.s32 $0xFFFFFF80  }
0x28: {  	s19 =	simm.s32 $0x600;
	s23 =	sand.u32 $0x3C00, s22;
	_ =	swait.ge [sflag:s17], $0x4000  }
0x29: {  	s22 =	sand.u32 $0x380, s22;
	s23 =	sadd.s32 s6, s23;
	[sflag:s17] =	ssyncset.done $0x0  }
.LBB2_2:
0x2a: {  	p0 =	sne.s32 s21, $0xA000;
	s22 =	sor.u32 s22, s23  }
0x2b: {  	s23 =	sshrl.u32 s24, $0x2;
	s24 =	smov.u32 s19;
	s19 =	smov.u32 s21  }
0x2c: {  	s25 =	sand.u32 $0x600, s24;
	s22 =	sshrl.u32 s22, $0x3;
	[sflag:s17] =	ssyncadd.s32 $0xFFFFC000  }
0x2d: {  	[spmem:s3] =	stream.indirect.scatter.add.f32 [tilespmem:s14], [sflag:$0x1], $0x80, s23, s15, $0xb8;
	[tilespmem:$0x18200] =	vst v63  }
0x2e: {  	s21 =	sadd.s32 $0x200, s21;
	s23 =	sshrl.u32 s25, $0x2;
	s22 =	sadd.s32 s5, s22  }
0x2f: {  	[tilespmem:s23], [sflag:$0x2] =	stream.linear.gather [hbm4b:s22+s4], $0x80, $0x38;
	[tilespmem:$0x18200] =	vst v63  }
.Ltmp0:
0x30: {  	s20 =	sadd.s32 $0x1, s20;
	_ =	swait.ge [sflag:s16], $0x80;
	(pc) =	sbr.rel @p0 .LBB2_2-.Ltmp0, $4  }
0x31: {  	s22 =	smin.u32 s20, $0x4F;
	[sflag:s16] =	ssyncset.done $0x0  }
0x32: {  	s24 =	sadd.s32 $0xFFFFFE00, s24;
	s22 =	sshll.u32 s22, $0x7;
	[sflag:s16] =	ssyncadd.s32 $0xFFFFFF80  }
0x33: {  	s23 =	sand.u32 $0x3C00, s22;
	s22 =	sand.u32 $0x380, s22;
	_ =	swait.ge [sflag:s17], $0x4000  }
0x34: {  	s24 =	sand.u32 $0x600, s24;
	s23 =	sadd.s32 s6, s23;
	[sflag:s17] =	ssyncset.done $0x0  }
0x35: {  	s20 =	sor.u32 s22, s23;
	s21 =	sshrl.u32 s24, $0x2  }
0x36: {  	s29 =	sand.u32 $0x600, s19;
	[sflag:s17] =	ssyncadd.s32 $0xFFFFC000;
	s20 =	sshrl.u32 s20, $0x3  }
0x37: {  	[spmem:s3] =	stream.indirect.scatter.add.f32 [tilespmem:s14], [sflag:$0x1], $0x80, s21, s15, $0xb8;
	[tilespmem:$0x18200] =	vst v63  }
0x38: {  	s30 =	sshrl.u32 s29, $0x2;
	s20 =	sadd.s32 s5, s20  }
0x39: {  	[tilespmem:s30], [sflag:$0x2] =	stream.linear.gather [hbm4b:s20+s4], $0x80, $0x38;
	[tilespmem:$0x18200] =	vst v63  }
0x3a: {  	_ =	swait.ge [sflag:s16], $0x80  }
0x3b: {  	[sflag:s16] =	ssyncset.done $0x0  }
0x3c: {  	[sflag:s16] =	ssyncadd.s32 $0xFFFFFF80  }
0x3d: {  	s31 =	sadd.s32 $0xFFFFFE00, s19;
	_ =	swait.ge [sflag:s17], $0x4000  }
0x3e: {  	s19 =	sand.u32 $0x600, s31;
	[sflag:s17] =	ssyncset.done $0x0  }
0x3f: {  	s19 =	sshrl.u32 s19, $0x2;
	[sflag:s17] =	ssyncadd.s32 $0xFFFFC000  }
0x40: {  	[spmem:s3] =	stream.indirect.scatter.add.f32 [tilespmem:s14], [sflag:$0x1], $0x80, s19, s15, $0xb8;
	[tilespmem:$0x18200] =	vst v63  }
0x41: {  	_ =	swait.ge [sflag:s17], $0x4000  }
0x42: {  	s18 =	sadd.s32 $0x1, s18;
	[sflag:s17] =	ssyncset.done $0x0  }
0x43: {  	p0 =	sne.s32 s18, s11;
	[sflag:s17] =	ssyncadd.s32 $0xFFFFC000  }
.Ltmp1:
0x44: {  	[bflag:$0x0] =	sbarrier.arrive $0xFFFF;
	(pc) =	sbr.rel @p0 .LBB2_1-.Ltmp1, $4  }
0x45: {  	[hbm:s10], [sflag:s8] =	dma.local [spmem:s13], $0x2800  }
0x46: {  	_ =	swait.ge [sflag:s16], $0x2800  }
0x47: {  	[sflag:s16] =	ssyncset.done $0x0  }
0x48: {  	[sflag:s16] =	ssyncadd.s32 $0xFFFFD800  }
0x49: {  	_ =	sfence.sel $0x180000  }
0x4a: {  	[bflag:$0x0] =	sbarrier.arrive $0xFFFF  }
0x4b: {  	p0 =	sne.s32 s1, $0x0;
	_ =	strace $0x90000047  }
0x4c: {  	s0 =	sadd.s32 @!p0 $0x100000, s0;
	[bflag:$0x2] =	sbarrier.arrive $0xFFFF  }
0x4d: {  	[sflag:s0] =	ssyncadd.tile.s32 @!p0 $0x1;
	_ =	shalt  }
.Lfunc_end2:
_tile_overlayer_lowered:
.L_overlay_start_2:
0x4e: {  	(tag) =	ssettag $0x2  }
0x4f: {  	s0 =	rddreg [dreg:$0x0];
	s2 =	stileid.u32  }
0x50: {  	s1 =	rddreg [dreg:$0x1];
	p0 =	sne.s32 s2, $0x0  }
0x51: {  	s3 =	rddreg [dreg:$0x2];
	[bflag:$0x3] =	sbarrier.arrive $0xFFFF;
	s2 =	simm.s32 @!p0 $0x1C02  }
0x52: {  	[timem:s3], [sflag:s2] =	dma.local @!p0 [hbm:s0], s1  }
0x53: {  	s0 =	simm.s32 @!p0 $0x2  }
0x54: {  	_ =	swait.ge @!p0 [sflag:s0], s1  }
0x55: {  	s1 =	ssub.s32 @!p0 $0x0, s1;
	[sflag:s0] =	ssyncset.done @!p0 $0x0  }
0x56: {  	[sflag:s0] =	ssyncadd.s32 @!p0 s1  }
0x57: {  	[bflag:$0x3] =	sbarrier.arrive $0xFFFF  }
0x58: {  	_ =	shalt  }

</sc_bundles>
